<compile_context>
chip_gen: v7x
topology: tpu7x:2x2x1
jax: 0.10.2.dev20260603
libtpu: 0.0.44.dev20260713+nightly
codegen_flags: <defaults>
</compile_context>

<pallas_src>
import functools

import jax
import jax.numpy as jnp
from jax import lax
from jax.experimental import pallas as pl
from jax.experimental.pallas import tpu as pltpu
from jax.experimental.pallas import tpu_sc as plsc

N = 10000
E = 320000
D = 128
G = 64
NL = 5

NW = 32
RPT = 80
EPAD = NW * RPT * 128
ACC_ROWS = 10112
ZPT = 632


def _mesh():
    return plsc.VectorSubcoreMesh(core_axis_name="c", subcore_axis_name="s")



def _sc_deg(dst2d, z16, ones16):

    @functools.partial(
        pl.kernel,
        mesh=_mesh(),
        out_type=jax.ShapeDtypeStruct((2, ACC_ROWS, 16), jnp.float32),
        scratch_types=[
            pltpu.VMEM((RPT, 128), jnp.int32),
            pltpu.VMEM((128, 16), jnp.float32),
            pltpu.VMEM_SHARED((ACC_ROWS, 16), jnp.float32),
        ],
    )
    def k(dst_hbm, z_hbm, ones_hbm, out_hbm, dst_v, ones_v, acc):
        c = lax.axis_index("c")
        s = lax.axis_index("s")
        wid = c * 16 + s
        pltpu.sync_copy(z_hbm, acc.at[pl.ds(s * ZPT, ZPT)])
        pltpu.sync_copy(ones_hbm, ones_v)
        pltpu.sync_copy(dst_hbm.at[pl.ds(wid * RPT, RPT)], dst_v)
        plsc.subcore_barrier()

        def body(j, carry):
            pltpu.sync_copy(ones_v, acc.at[dst_v.at[j]], add=True)
            return carry

        lax.fori_loop(0, RPT, body, 0)
        plsc.subcore_barrier()
        pltpu.sync_copy(acc.at[pl.ds(s * ZPT, ZPT)],
                        out_hbm.at[c, pl.ds(s * ZPT, ZPT)])

    return k(dst2d, z16, ones16)


def _sc_segsum(hp, src2d, dst2d, zrows):

    @functools.partial(
        pl.kernel,
        mesh=_mesh(),
        out_type=jax.ShapeDtypeStruct((2, ACC_ROWS, D), jnp.float32),
        scratch_types=[
            pltpu.VMEM((RPT, 128), jnp.int32),
            pltpu.VMEM((RPT, 128), jnp.int32),
            pltpu.VMEM((128, D), jnp.float32),
            pltpu.VMEM_SHARED((ACC_ROWS, D), jnp.float32),
        ],
    )
    def k(hp_hbm, src_hbm, dst_hbm, z_hbm, out_hbm, src_v, dst_v, rows_v, acc):
        c = lax.axis_index("c")
        s = lax.axis_index("s")
        wid = c * 16 + s
        pltpu.sync_copy(z_hbm, acc.at[pl.ds(s * ZPT, ZPT)])
        pltpu.sync_copy(src_hbm.at[pl.ds(wid * RPT, RPT)], src_v)
        pltpu.sync_copy(dst_hbm.at[pl.ds(wid * RPT, RPT)], dst_v)
        plsc.subcore_barrier()

        def body(j, carry):
            pltpu.sync_copy(hp_hbm.at[src_v.at[j]], rows_v)
            pltpu.sync_copy(rows_v, acc.at[dst_v.at[j]], add=True)
            return carry

        lax.fori_loop(0, RPT, body, 0)
        plsc.subcore_barrier()
        pltpu.sync_copy(acc.at[pl.ds(s * ZPT, ZPT)],
                        out_hbm.at[c, pl.ds(s * ZPT, ZPT)])

    return k(hp, src2d, dst2d, zrows)



def _tc_pre(x, degp, W0):

    def body(x_ref, degp_ref, w_ref, dinv_ref, hp_ref):
        deg = degp_ref[0, :N, 0:1] + degp_ref[1, :N, 0:1] + 1.0
        dinvb = jnp.broadcast_to(lax.rsqrt(deg), (N, D))
        dinv_ref[...] = dinvb
        h = jnp.dot(x_ref[...], w_ref[...], preferred_element_type=jnp.float32)
        hp_ref[...] = h * dinvb

    return pl.pallas_call(
        body,
        out_shape=(jax.ShapeDtypeStruct((N, D), jnp.float32),
                   jax.ShapeDtypeStruct((N, D), jnp.float32)),
    )(x, degp, W0)


def _tc_layer(i, x, P, hp, dinvb, b, g, be, Wn):
    has_res = i > 0
    has_next = Wn is not None

    def body(*refs):
        it = iter(refs)
        x_ref = next(it) if has_res else None
        p_ref, hp_ref, dinv_ref, b_ref, g_ref, be_ref = (next(it) for _ in range(6))
        w_ref = next(it) if has_next else None
        xo_ref = next(it)
        hpo_ref = next(it) if has_next else None

        dinvb_ = dinv_ref[...]
        t = (p_ref[0, :N] + p_ref[1, :N] + hp_ref[...]) * dinvb_ + b_ref[...]
        mu = jnp.mean(t, axis=0, keepdims=True)
        var = jnp.mean((t - mu) ** 2, axis=0, keepdims=True)
        t = (t - mu) * lax.rsqrt(var + 1e-5) * g_ref[...] + be_ref[...]
        t = jnp.maximum(t, 0.0)
        if has_res:
            t = x_ref[...] + t
        xo_ref[...] = t
        if has_next:
            hpo_ref[...] = jnp.dot(
                t, w_ref[...], preferred_element_type=jnp.float32) * dinvb_

    outs = [jax.ShapeDtypeStruct((N, D), jnp.float32)]
    if has_next:
        outs.append(jax.ShapeDtypeStruct((N, D), jnp.float32))
    args = []
    if has_res:
        args.append(x)
    args += [P, hp, dinvb, b.reshape(1, D), g.reshape(1, D), be.reshape(1, D)]
    if has_next:
        args.append(Wn)
    res = pl.pallas_call(body, out_shape=tuple(outs))(*args)
    return res if has_next else (res[0], None)


def _tc_pool(x, batch2d, lw1, lb1, lw2, lb2):

    def body(x_ref, b_ref, w1_ref, b1_ref, w2_ref, b2_ref, o_ref):
        gids = lax.broadcasted_iota(jnp.int32, (N, G), 1)
        onehot = (b_ref[...] == gids).astype(jnp.float32)
        sums = lax.dot_general(onehot, x_ref[...], (((0,), (0,)), ((), ())),
                               preferred_element_type=jnp.float32)
        cnt = jnp.sum(onehot, axis=0, keepdims=True)
        pooled = sums / jnp.clip(cnt, 1.0, None).T
        h = jnp.maximum(
            jnp.dot(pooled, w1_ref[...], preferred_element_type=jnp.float32)
            + b1_ref[...], 0.0)
        o_ref[...] = jnp.dot(
            h, w2_ref[...], preferred_element_type=jnp.float32) + b2_ref[...]

    return pl.pallas_call(
        body,
        out_shape=jax.ShapeDtypeStruct((G, 1), jnp.float32),
    )(x, batch2d, lw1, lb1.reshape(1, D // 2), lw2, lb2.reshape(1, 1))



def kernel(x, edge_index, batch, W0, b0, g0, be0, W1, b1, g1, be1, W2, b2, g2,
           be2, W3, b3, g3, be3, W4, b4, g4, be4, lw1, lb1, lw2, lb2):
    Ws = [W0, W1, W2, W3, W4]
    bs = [b0, b1, b2, b3, b4]
    gs = [g0, g1, g2, g3, g4]
    bes = [be0, be1, be2, be3, be4]

    pad = EPAD - E
    src2d = jnp.concatenate(
        [edge_index[0], jnp.zeros((pad,), jnp.int32)]).reshape(EPAD // 128, 128)
    dst2d = jnp.concatenate(
        [edge_index[1], jnp.full((pad,), N, jnp.int32)]).reshape(EPAD // 128, 128)
    z16 = jnp.zeros((ZPT, 16), jnp.float32)
    ones16 = jnp.ones((128, 16), jnp.float32)
    zrows = jnp.zeros((ZPT, D), jnp.float32)
    batch2d = batch.reshape(N, 1)

    degp = _sc_deg(dst2d, z16, ones16)
    dinvb, hp = _tc_pre(x, degp, W0)

    xcur = x
    for i in range(NL):
        P = _sc_segsum(hp, src2d, dst2d, zrows)
        Wn = Ws[i + 1] if i + 1 < NL else None
        xcur, hp = _tc_layer(i, xcur, P, hp, dinvb, bs[i], gs[i], bes[i], Wn)

    return _tc_pool(xcur, batch2d, lw1, lb1, lw2, lb2)

# --- scband reference (transcript-rebuilt; emitter-appended) ---
"""Pipeline reference for scband-improved-gcn-13202729468404 (READ-ONLY COPY).

The authoritative reference and input builder live on the scoring server;
editing this copy changes nothing except your own understanding.
"""

import jax, jax.numpy as jnp
import numpy as np

N_NODES = 10000
N_EDGES = 320000
D_IN = 128
HID = 128
N_GRAPHS = 64
N_LAYERS = 5


def gcn_conv(x, edge_index, W, b):
    N = x.shape[0]
    loop = jnp.arange(N, dtype=edge_index.dtype)
    src = jnp.concatenate([edge_index[0], loop])
    dst = jnp.concatenate([edge_index[1], loop])
    deg = jax.ops.segment_sum(jnp.ones(src.shape, x.dtype), dst, num_segments=N)
    dinv = jnp.where(deg > 0, deg ** -0.5, 0.0)
    norm = dinv[src] * dinv[dst]
    h = x @ W
    msg = h[src] * norm[:, None]
    return jax.ops.segment_sum(msg, dst, num_segments=N) + b


def batch_norm(x, g, be):
    mu = jnp.mean(x, axis=0)
    var = jnp.var(x, axis=0)
    return (x - mu) / jnp.sqrt(var + 1e-5) * g + be


def setup_inputs(seed: int = 0):
    key = jax.random.key(seed)
    ks = jax.random.split(key, 40)
    inp = {}
    inp['x'] = jax.random.normal(ks[0], (N_NODES, D_IN), dtype=jnp.float32)
    inp['edge_index'] = jax.random.randint(ks[1], (2, N_EDGES), 0, N_NODES, dtype=jnp.int32)
    inp['batch'] = jnp.sort(jax.random.randint(ks[2], (N_NODES,), 0, N_GRAPHS, dtype=jnp.int32))
    for i in range(N_LAYERS):
        fin = D_IN if i == 0 else HID
        inp['W%d' % i] = jax.random.normal(ks[3 + i], (fin, HID), dtype=jnp.float32) * (fin ** -0.5)
        inp['b%d' % i] = jnp.zeros((HID,), jnp.float32)
        inp['g%d' % i] = jnp.ones((HID,), jnp.float32)
        inp['be%d' % i] = jnp.zeros((HID,), jnp.float32)
    inp['lw1'] = jax.random.normal(ks[20], (HID, HID // 2), dtype=jnp.float32) * (HID ** -0.5)
    inp['lb1'] = jnp.zeros((HID // 2,), jnp.float32)
    inp['lw2'] = jax.random.normal(ks[21], (HID // 2, 1), dtype=jnp.float32) * ((HID // 2) ** -0.5)
    inp['lb2'] = jnp.zeros((1,), jnp.float32)
    return inp


def reference(x, edge_index, batch, W0, b0, g0, be0, W1, b1, g1, be1, W2, b2, g2, be2, W3, b3, g3, be3, W4, b4, g4, be4, lw1, lb1, lw2, lb2):
    Ws = [W0, W1, W2, W3, W4]
    bs = [b0, b1, b2, b3, b4]
    gs = [g0, g1, g2, g3, g4]
    bes = [be0, be1, be2, be3, be4]
    for i in range(N_LAYERS):
        xn = gcn_conv(x, edge_index, Ws[i], bs[i])
        xn = batch_norm(xn, gs[i], bes[i])
        xn = jax.nn.relu(xn)
        if i > 0 and x.shape[-1] == xn.shape[-1]:
            x = x + xn
        else:
            x = xn
    sums = jax.ops.segment_sum(x, batch, num_segments=N_GRAPHS)
    cnt = jax.ops.segment_sum(jnp.ones((x.shape[0],), x.dtype), batch, num_segments=N_GRAPHS)
    pooled = sums / jnp.clip(cnt, 1.0, None)[:, None]
    h = jax.nn.relu(pooled @ lw1 + lb1)
    return h @ lw2 + lb2

if __name__ == "__main__":
    import jax
    _d = setup_inputs()
    print(jax.jit(kernel)(*tuple(_d.values())))

</pallas_src>

<mosaic_0001>
#map = affine_map<(d0, d1) -> (0, 0)>
#map1 = affine_map<(d0, d1) -> (0, 0, 0)>
module attributes {stable_mosaic.version = 14 : i64} {
  func.func @k(%arg0: i32, %arg1: i32, %arg2: memref<10000x128xf32, #tpu.memory_space<hbm>>, %arg3: memref<2560x128xi32, #tpu.memory_space<hbm>>, %arg4: memref<2560x128xi32, #tpu.memory_space<hbm>>, %arg5: memref<632x128xf32, #tpu.memory_space<hbm>>, %arg6: memref<2x10112x128xf32, #tpu.memory_space<hbm>>, %arg7: memref<80x128xi32, #tpu.memory_space<vmem>>, %arg8: memref<80x128xi32, #tpu.memory_space<vmem>>, %arg9: memref<128x128xf32, #tpu.memory_space<vmem>>, %arg10: memref<10112x128xf32, #tpu.memory_space<vmem_shared>>) attributes {dimension_semantics = [#tpu.dimension_semantics<core_parallel>, #tpu.dimension_semantics<subcore_parallel>], iteration_bounds = array<i64: 2, 16>, scalar_prefetch = 0 : i64, scratch_operands = 4 : i64, tpu.core_type = #tpu.core_type<sc_vector_subcore>, window_params = [{transform_indices = #map}, {transform_indices = #map}, {transform_indices = #map}, {transform_indices = #map}, {transform_indices = #map1}]} {
    %mul3A = arith.constant 16 : i32
    %mul3A_0 = arith.muli %arg0, %mul3A : i32
    %add3A = arith.addi %mul3A_0, %arg1 : i32
    %mul3A_1 = arith.constant 632 : i32
    %mul3A_2 = arith.muli %arg1, %mul3A_1 : i32
    "tpu.region"() ({
      %run_scoped3A = tpu.sem_alloc : memref<!tpu.dma_semaphore, #tpu.memory_space<semaphore_mem>>
      %dma_start3A = arith.constant 0 : i32
      %dma_start3A_17 = tpu.memref_slice %arg10[%mul3A_2, %dma_start3A] : memref<10112x128xf32, #tpu.memory_space<vmem_shared>> -> memref<632x128xf32, #tpu.memory_space<vmem_shared>>
      tpu.enqueue_dma source(%arg5 : memref<632x128xf32, #tpu.memory_space<hbm>>) target(%dma_start3A_17 : memref<632x128xf32, #tpu.memory_space<vmem_shared>>) target_semaphore(%run_scoped3A : memref<!tpu.dma_semaphore, #tpu.memory_space<semaphore_mem>>)
      %dma_wait3A = arith.constant 0 : i32
      %dma_wait3A_18 = tpu.memref_slice %arg10[%mul3A_2, %dma_wait3A] : memref<10112x128xf32, #tpu.memory_space<vmem_shared>> -> memref<632x128xf32, #tpu.memory_space<vmem_shared>>
      tpu.wait_dma2 semaphore(%run_scoped3A : memref<!tpu.dma_semaphore, #tpu.memory_space<semaphore_mem>>) src(%arg5 : memref<632x128xf32, #tpu.memory_space<hbm>>) dst(%dma_wait3A_18 : memref<632x128xf32, #tpu.memory_space<vmem_shared>>)
      tpu.yield
    }) : () -> ()
    %mul3A_3 = arith.constant 80 : i32
    %mul3A_4 = arith.muli %add3A, %mul3A_3 : i32
    "tpu.region"() ({
      %run_scoped3A = tpu.sem_alloc : memref<!tpu.dma_semaphore, #tpu.memory_space<semaphore_mem>>
      %dma_start3A = arith.constant 0 : i32
      %dma_start3A_17 = tpu.memref_slice %arg3[%mul3A_4, %dma_start3A] : memref<2560x128xi32, #tpu.memory_space<hbm>> -> memref<80x128xi32, #tpu.memory_space<hbm>>
      %dma_start3A_18 = arith.constant 0 : i32
      %dma_start3A_19 = tpu.memref_slice %arg3[%mul3A_4, %dma_start3A_18] : memref<2560x128xi32, #tpu.memory_space<hbm>> -> memref<80x128xi32, #tpu.memory_space<hbm>>
      tpu.enqueue_dma source(%dma_start3A_19 : memref<80x128xi32, #tpu.memory_space<hbm>>) target(%arg7 : memref<80x128xi32, #tpu.memory_space<vmem>>) target_semaphore(%run_scoped3A : memref<!tpu.dma_semaphore, #tpu.memory_space<semaphore_mem>>)
      %dma_wait3A = arith.constant 0 : i32
      %dma_wait3A_20 = tpu.memref_slice %arg3[%mul3A_4, %dma_wait3A] : memref<2560x128xi32, #tpu.memory_space<hbm>> -> memref<80x128xi32, #tpu.memory_space<hbm>>
      %dma_wait3A_21 = arith.constant 0 : i32
      %dma_wait3A_22 = tpu.memref_slice %arg3[%mul3A_4, %dma_wait3A_21] : memref<2560x128xi32, #tpu.memory_space<hbm>> -> memref<80x128xi32, #tpu.memory_space<hbm>>
      tpu.wait_dma2 semaphore(%run_scoped3A : memref<!tpu.dma_semaphore, #tpu.memory_space<semaphore_mem>>) src(%dma_wait3A_22 : memref<80x128xi32, #tpu.memory_space<hbm>>) dst(%arg7 : memref<80x128xi32, #tpu.memory_space<vmem>>)
      tpu.yield
    }) : () -> ()
    %mul3A_5 = arith.constant 80 : i32
    %mul3A_6 = arith.muli %add3A, %mul3A_5 : i32
    "tpu.region"() ({
      %run_scoped3A = tpu.sem_alloc : memref<!tpu.dma_semaphore, #tpu.memory_space<semaphore_mem>>
      %dma_start3A = arith.constant 0 : i32
      %dma_start3A_17 = tpu.memref_slice %arg4[%mul3A_6, %dma_start3A] : memref<2560x128xi32, #tpu.memory_space<hbm>> -> memref<80x128xi32, #tpu.memory_space<hbm>>
      %dma_start3A_18 = arith.constant 0 : i32
      %dma_start3A_19 = tpu.memref_slice %arg4[%mul3A_6, %dma_start3A_18] : memref<2560x128xi32, #tpu.memory_space<hbm>> -> memref<80x128xi32, #tpu.memory_space<hbm>>
      tpu.enqueue_dma source(%dma_start3A_19 : memref<80x128xi32, #tpu.memory_space<hbm>>) target(%arg8 : memref<80x128xi32, #tpu.memory_space<vmem>>) target_semaphore(%run_scoped3A : memref<!tpu.dma_semaphore, #tpu.memory_space<semaphore_mem>>)
      %dma_wait3A = arith.constant 0 : i32
      %dma_wait3A_20 = tpu.memref_slice %arg4[%mul3A_6, %dma_wait3A] : memref<2560x128xi32, #tpu.memory_space<hbm>> -> memref<80x128xi32, #tpu.memory_space<hbm>>
      %dma_wait3A_21 = arith.constant 0 : i32
      %dma_wait3A_22 = tpu.memref_slice %arg4[%mul3A_6, %dma_wait3A_21] : memref<2560x128xi32, #tpu.memory_space<hbm>> -> memref<80x128xi32, #tpu.memory_space<hbm>>
      tpu.wait_dma2 semaphore(%run_scoped3A : memref<!tpu.dma_semaphore, #tpu.memory_space<semaphore_mem>>) src(%dma_wait3A_22 : memref<80x128xi32, #tpu.memory_space<hbm>>) dst(%arg8 : memref<80x128xi32, #tpu.memory_space<vmem>>)
      tpu.yield
    }) : () -> ()
    %barrier3A = arith.constant 0 : index
    tpu.barrier barrier_id(%barrier3A)
    %scan3A = arith.constant 0 : i32
    %scan3A_7 = arith.constant 0 : i32
    %scan3A_8 = arith.constant 80 : i32
    %scan3A_9 = arith.addi %scan3A_7, %scan3A_8 : i32
    %scan3A_10 = arith.constant 1 : i32
    scf.for %scan3A_17 = %scan3A_7 to %scan3A_9 step %scan3A_10  : i32 {
      "tpu.region"() ({
        %run_scoped3A = tpu.sem_alloc : memref<!tpu.dma_semaphore, #tpu.memory_space<semaphore_mem>>
        %dma_start3A = arith.constant 0 : i32
        %dma_start3A_18 = tpu.memref_slice %arg7[%scan3A_17, %dma_start3A] : memref<80x128xi32, #tpu.memory_space<vmem>> -> memref<1x128xi32, #tpu.memory_space<vmem>>
        %dma_start3A_19 = tpu.memref_squeeze %dma_start3A_18 : memref<1x128xi32, #tpu.memory_space<vmem>> -> memref<128xi32, #tpu.memory_space<vmem>>
        %dma_start3A_20 = arith.constant 0 : i32
        %dma_start3A_21 = arith.constant 0 : i32
        %dma_start3A_22 = tpu.memref_slice %arg2[%dma_start3A_20, %dma_start3A_21] : memref<10000x128xf32, #tpu.memory_space<hbm>> -> memref<10000x128xf32, #tpu.memory_space<hbm>>
        tpu.enqueue_indirect_dma source(%dma_start3A_22 : memref<10000x128xf32, #tpu.memory_space<hbm>>) target(%arg9 : memref<128x128xf32, #tpu.memory_space<vmem>>) offsets(%dma_start3A_19 : memref<128xi32, #tpu.memory_space<vmem>>) semaphore(%run_scoped3A : memref<!tpu.dma_semaphore, #tpu.memory_space<semaphore_mem>>)
        %dma_wait3A = arith.constant 0 : i32
        %dma_wait3A_23 = tpu.memref_slice %arg7[%scan3A_17, %dma_wait3A] : memref<80x128xi32, #tpu.memory_space<vmem>> -> memref<1x128xi32, #tpu.memory_space<vmem>>
        %dma_wait3A_24 = tpu.memref_squeeze %dma_wait3A_23 : memref<1x128xi32, #tpu.memory_space<vmem>> -> memref<128xi32, #tpu.memory_space<vmem>>
        %dma_wait3A_25 = arith.constant 0 : i32
        %dma_wait3A_26 = arith.constant 0 : i32
        %dma_wait3A_27 = tpu.memref_slice %arg2[%dma_wait3A_25, %dma_wait3A_26] : memref<10000x128xf32, #tpu.memory_space<hbm>> -> memref<10000x128xf32, #tpu.memory_space<hbm>>
        tpu.wait_indirect_dma semaphore(%run_scoped3A : memref<!tpu.dma_semaphore, #tpu.memory_space<semaphore_mem>>) src(%dma_wait3A_27 : memref<10000x128xf32, #tpu.memory_space<hbm>>) dst(%arg9 : memref<128x128xf32, #tpu.memory_space<vmem>>)
        tpu.yield
      }) : () -> ()
      "tpu.region"() ({
        %run_scoped3A = tpu.sem_alloc : memref<!tpu.dma_semaphore, #tpu.memory_space<semaphore_mem>>
        %dma_start3A = arith.constant 0 : i32
        %dma_start3A_18 = tpu.memref_slice %arg8[%scan3A_17, %dma_start3A] : memref<80x128xi32, #tpu.memory_space<vmem>> -> memref<1x128xi32, #tpu.memory_space<vmem>>
        %dma_start3A_19 = tpu.memref_squeeze %dma_start3A_18 : memref<1x128xi32, #tpu.memory_space<vmem>> -> memref<128xi32, #tpu.memory_space<vmem>>
        %dma_start3A_20 = arith.constant 0 : i32
        %dma_start3A_21 = arith.constant 0 : i32
        %dma_start3A_22 = tpu.memref_slice %arg10[%dma_start3A_20, %dma_start3A_21] : memref<10112x128xf32, #tpu.memory_space<vmem_shared>> -> memref<10112x128xf32, #tpu.memory_space<vmem_shared>>
        tpu.enqueue_indirect_dma source(%arg9 : memref<128x128xf32, #tpu.memory_space<vmem>>) target(%dma_start3A_22 : memref<10112x128xf32, #tpu.memory_space<vmem_shared>>) offsets(%dma_start3A_19 : memref<128xi32, #tpu.memory_space<vmem>>) semaphore(%run_scoped3A : memref<!tpu.dma_semaphore, #tpu.memory_space<semaphore_mem>>) {add = true}
        %dma_wait3A = arith.constant 0 : i32
        %dma_wait3A_23 = tpu.memref_slice %arg8[%scan3A_17, %dma_wait3A] : memref<80x128xi32, #tpu.memory_space<vmem>> -> memref<1x128xi32, #tpu.memory_space<vmem>>
        %dma_wait3A_24 = tpu.memref_squeeze %dma_wait3A_23 : memref<1x128xi32, #tpu.memory_space<vmem>> -> memref<128xi32, #tpu.memory_space<vmem>>
        %dma_wait3A_25 = arith.constant 0 : i32
        %dma_wait3A_26 = arith.constant 0 : i32
        %dma_wait3A_27 = tpu.memref_slice %arg10[%dma_wait3A_25, %dma_wait3A_26] : memref<10112x128xf32, #tpu.memory_space<vmem_shared>> -> memref<10112x128xf32, #tpu.memory_space<vmem_shared>>
        tpu.wait_indirect_dma semaphore(%run_scoped3A : memref<!tpu.dma_semaphore, #tpu.memory_space<semaphore_mem>>) src(%arg9 : memref<128x128xf32, #tpu.memory_space<vmem>>) dst(%dma_wait3A_27 : memref<10112x128xf32, #tpu.memory_space<vmem_shared>>)
        tpu.yield
      }) : () -> ()
    }
    %scan3A_11 = arith.constant 80 : i32
    %barrier3A_12 = arith.constant 0 : index
    tpu.barrier barrier_id(%barrier3A_12)
    %mul3A_13 = arith.constant 632 : i32
    %mul3A_14 = arith.muli %arg1, %mul3A_13 : i32
    %mul3A_15 = arith.constant 632 : i32
    %mul3A_16 = arith.muli %arg1, %mul3A_15 : i32
    "tpu.region"() ({
      %run_scoped3A = tpu.sem_alloc : memref<!tpu.dma_semaphore, #tpu.memory_space<semaphore_mem>>
      %dma_start3A = arith.constant 0 : i32
      %dma_start3A_17 = tpu.memref_slice %arg6[%arg0, %mul3A_16, %dma_start3A] : memref<2x10112x128xf32, #tpu.memory_space<hbm>> -> memref<1x632x128xf32, #tpu.memory_space<hbm>>
      %dma_start3A_18 = tpu.memref_squeeze %dma_start3A_17 : memref<1x632x128xf32, #tpu.memory_space<hbm>> -> memref<632x128xf32, #tpu.memory_space<hbm>>
      %dma_start3A_19 = arith.constant 0 : i32
      %dma_start3A_20 = tpu.memref_slice %arg10[%mul3A_14, %dma_start3A_19] : memref<10112x128xf32, #tpu.memory_space<vmem_shared>> -> memref<632x128xf32, #tpu.memory_space<vmem_shared>>
      tpu.enqueue_dma source(%dma_start3A_20 : memref<632x128xf32, #tpu.memory_space<vmem_shared>>) target(%dma_start3A_18 : memref<632x128xf32, #tpu.memory_space<hbm>>) target_semaphore(%run_scoped3A : memref<!tpu.dma_semaphore, #tpu.memory_space<semaphore_mem>>)
      %dma_wait3A = arith.constant 0 : i32
      %dma_wait3A_21 = tpu.memref_slice %arg6[%arg0, %mul3A_16, %dma_wait3A] : memref<2x10112x128xf32, #tpu.memory_space<hbm>> -> memref<1x632x128xf32, #tpu.memory_space<hbm>>
      %dma_wait3A_22 = tpu.memref_squeeze %dma_wait3A_21 : memref<1x632x128xf32, #tpu.memory_space<hbm>> -> memref<632x128xf32, #tpu.memory_space<hbm>>
      %dma_wait3A_23 = arith.constant 0 : i32
      %dma_wait3A_24 = tpu.memref_slice %arg10[%mul3A_14, %dma_wait3A_23] : memref<10112x128xf32, #tpu.memory_space<vmem_shared>> -> memref<632x128xf32, #tpu.memory_space<vmem_shared>>
      tpu.wait_dma2 semaphore(%run_scoped3A : memref<!tpu.dma_semaphore, #tpu.memory_space<semaphore_mem>>) src(%dma_wait3A_24 : memref<632x128xf32, #tpu.memory_space<vmem_shared>>) dst(%dma_wait3A_22 : memref<632x128xf32, #tpu.memory_space<hbm>>)
      tpu.yield
    }) : () -> ()
    return
  }
}

#map = affine_map<(d0, d1) -> (0, 0)>
#map1 = affine_map<(d0, d1) -> (0, 0, 0)>
module attributes {stable_mosaic.version = 14 : i64} {
  func.func @k(%arg0: i32, %arg1: i32, %arg2: memref<10000x128xf32, #tpu.memory_space<hbm>>, %arg3: memref<2560x128xi32, #tpu.memory_space<hbm>>, %arg4: memref<2560x128xi32, #tpu.memory_space<hbm>>, %arg5: memref<632x128xf32, #tpu.memory_space<hbm>>, %arg6: memref<2x10112x128xf32, #tpu.memory_space<hbm>>, %arg7: memref<80x128xi32, #tpu.memory_space<vmem>>, %arg8: memref<80x128xi32, #tpu.memory_space<vmem>>, %arg9: memref<128x128xf32, #tpu.memory_space<vmem>>, %arg10: memref<10112x128xf32, #tpu.memory_space<vmem_shared>>) attributes {dimension_semantics = [#tpu.dimension_semantics<core_parallel>, #tpu.dimension_semantics<subcore_parallel>], iteration_bounds = array<i64: 2, 16>, scalar_prefetch = 0 : i64, scratch_operands = 4 : i64, tpu.core_type = #tpu.core_type<sc_vector_subcore>, window_params = [{transform_indices = #map}, {transform_indices = #map}, {transform_indices = #map}, {transform_indices = #map}, {transform_indices = #map1}]} {
    %mul3A = arith.constant 16 : i32
    %mul3A_0 = arith.muli %arg0, %mul3A : i32
    %add3A = arith.addi %mul3A_0, %arg1 : i32
    %mul3A_1 = arith.constant 632 : i32
    %mul3A_2 = arith.muli %arg1, %mul3A_1 : i32
    "tpu.region"() ({
      %run_scoped3A = tpu.sem_alloc : memref<!tpu.dma_semaphore, #tpu.memory_space<semaphore_mem>>
      %dma_start3A = arith.constant 0 : i32
      %dma_start3A_17 = tpu.memref_slice %arg10[%mul3A_2, %dma_start3A] : memref<10112x128xf32, #tpu.memory_space<vmem_shared>> -> memref<632x128xf32, #tpu.memory_space<vmem_shared>>
      tpu.enqueue_dma source(%arg5 : memref<632x128xf32, #tpu.memory_space<hbm>>) target(%dma_start3A_17 : memref<632x128xf32, #tpu.memory_space<vmem_shared>>) target_semaphore(%run_scoped3A : memref<!tpu.dma_semaphore, #tpu.memory_space<semaphore_mem>>)
      %dma_wait3A = arith.constant 0 : i32
      %dma_wait3A_18 = tpu.memref_slice %arg10[%mul3A_2, %dma_wait3A] : memref<10112x128xf32, #tpu.memory_space<vmem_shared>> -> memref<632x128xf32, #tpu.memory_space<vmem_shared>>
      tpu.wait_dma2 semaphore(%run_scoped3A : memref<!tpu.dma_semaphore, #tpu.memory_space<semaphore_mem>>) src(%arg5 : memref<632x128xf32, #tpu.memory_space<hbm>>) dst(%dma_wait3A_18 : memref<632x128xf32, #tpu.memory_space<vmem_shared>>)
      tpu.yield
    }) : () -> ()
    %mul3A_3 = arith.constant 80 : i32
    %mul3A_4 = arith.muli %add3A, %mul3A_3 : i32
    "tpu.region"() ({
      %run_scoped3A = tpu.sem_alloc : memref<!tpu.dma_semaphore, #tpu.memory_space<semaphore_mem>>
      %dma_start3A = arith.constant 0 : i32
      %dma_start3A_17 = tpu.memref_slice %arg3[%mul3A_4, %dma_start3A] : memref<2560x128xi32, #tpu.memory_space<hbm>> -> memref<80x128xi32, #tpu.memory_space<hbm>>
      %dma_start3A_18 = arith.constant 0 : i32
      %dma_start3A_19 = tpu.memref_slice %arg3[%mul3A_4, %dma_start3A_18] : memref<2560x128xi32, #tpu.memory_space<hbm>> -> memref<80x128xi32, #tpu.memory_space<hbm>>
      tpu.enqueue_dma source(%dma_start3A_19 : memref<80x128xi32, #tpu.memory_space<hbm>>) target(%arg7 : memref<80x128xi32, #tpu.memory_space<vmem>>) target_semaphore(%run_scoped3A : memref<!tpu.dma_semaphore, #tpu.memory_space<semaphore_mem>>)
      %dma_wait3A = arith.constant 0 : i32
      %dma_wait3A_20 = tpu.memref_slice %arg3[%mul3A_4, %dma_wait3A] : memref<2560x128xi32, #tpu.memory_space<hbm>> -> memref<80x128xi32, #tpu.memory_space<hbm>>
      %dma_wait3A_21 = arith.constant 0 : i32
      %dma_wait3A_22 = tpu.memref_slice %arg3[%mul3A_4, %dma_wait3A_21] : memref<2560x128xi32, #tpu.memory_space<hbm>> -> memref<80x128xi32, #tpu.memory_space<hbm>>
      tpu.wait_dma2 semaphore(%run_scoped3A : memref<!tpu.dma_semaphore, #tpu.memory_space<semaphore_mem>>) src(%dma_wait3A_22 : memref<80x128xi32, #tpu.memory_space<hbm>>) dst(%arg7 : memref<80x128xi32, #tpu.memory_space<vmem>>)
      tpu.yield
    }) : () -> ()
    %mul3A_5 = arith.constant 80 : i32
    %mul3A_6 = arith.muli %add3A, %mul3A_5 : i32
    "tpu.region"() ({
      %run_scoped3A = tpu.sem_alloc : memref<!tpu.dma_semaphore, #tpu.memory_space<semaphore_mem>>
      %dma_start3A = arith.constant 0 : i32
      %dma_start3A_17 = tpu.memref_slice %arg4[%mul3A_6, %dma_start3A] : memref<2560x128xi32, #tpu.memory_space<hbm>> -> memref<80x128xi32, #tpu.memory_space<hbm>>
      %dma_start3A_18 = arith.constant 0 : i32
      %dma_start3A_19 = tpu.memref_slice %arg4[%mul3A_6, %dma_start3A_18] : memref<2560x128xi32, #tpu.memory_space<hbm>> -> memref<80x128xi32, #tpu.memory_space<hbm>>
      tpu.enqueue_dma source(%dma_start3A_19 : memref<80x128xi32, #tpu.memory_space<hbm>>) target(%arg8 : memref<80x128xi32, #tpu.memory_space<vmem>>) target_semaphore(%run_scoped3A : memref<!tpu.dma_semaphore, #tpu.memory_space<semaphore_mem>>)
      %dma_wait3A = arith.constant 0 : i32
      %dma_wait3A_20 = tpu.memref_slice %arg4[%mul3A_6, %dma_wait3A] : memref<2560x128xi32, #tpu.memory_space<hbm>> -> memref<80x128xi32, #tpu.memory_space<hbm>>
      %dma_wait3A_21 = arith.constant 0 : i32
      %dma_wait3A_22 = tpu.memref_slice %arg4[%mul3A_6, %dma_wait3A_21] : memref<2560x128xi32, #tpu.memory_space<hbm>> -> memref<80x128xi32, #tpu.memory_space<hbm>>
      tpu.wait_dma2 semaphore(%run_scoped3A : memref<!tpu.dma_semaphore, #tpu.memory_space<semaphore_mem>>) src(%dma_wait3A_22 : memref<80x128xi32, #tpu.memory_space<hbm>>) dst(%arg8 : memref<80x128xi32, #tpu.memory_space<vmem>>)
      tpu.yield
    }) : () -> ()
    %barrier3A = arith.constant 0 : index
    tpu.barrier barrier_id(%barrier3A)
    %scan3A = arith.constant 0 : i32
    %scan3A_7 = arith.constant 0 : i32
    %scan3A_8 = arith.constant 80 : i32
    %scan3A_9 = arith.addi %scan3A_7, %scan3A_8 : i32
    %scan3A_10 = arith.constant 1 : i32
    scf.for %scan3A_17 = %scan3A_7 to %scan3A_9 step %scan3A_10  : i32 {
      "tpu.region"() ({
        %run_scoped3A = tpu.sem_alloc : memref<!tpu.dma_semaphore, #tpu.memory_space<semaphore_mem>>
        %dma_start3A = arith.constant 0 : i32
        %dma_start3A_18 = tpu.memref_slice %arg7[%scan3A_17, %dma_start3A] : memref<80x128xi32, #tpu.memory_space<vmem>> -> memref<1x128xi32, #tpu.memory_space<vmem>>
        %dma_start3A_19 = tpu.memref_squeeze %dma_start3A_18 : memref<1x128xi32, #tpu.memory_space<vmem>> -> memref<128xi32, #tpu.memory_space<vmem>>
        %dma_start3A_20 = arith.constant 0 : i32
        %dma_start3A_21 = arith.constant 0 : i32
        %dma_start3A_22 = tpu.memref_slice %arg2[%dma_start3A_20, %dma_start3A_21] : memref<10000x128xf32, #tpu.memory_space<hbm>> -> memref<10000x128xf32, #tpu.memory_space<hbm>>
        tpu.enqueue_indirect_dma source(%dma_start3A_22 : memref<10000x128xf32, #tpu.memory_space<hbm>>) target(%arg9 : memref<128x128xf32, #tpu.memory_space<vmem>>) offsets(%dma_start3A_19 : memref<128xi32, #tpu.memory_space<vmem>>) semaphore(%run_scoped3A : memref<!tpu.dma_semaphore, #tpu.memory_space<semaphore_mem>>)
        %dma_wait3A = arith.constant 0 : i32
        %dma_wait3A_23 = tpu.memref_slice %arg7[%scan3A_17, %dma_wait3A] : memref<80x128xi32, #tpu.memory_space<vmem>> -> memref<1x128xi32, #tpu.memory_space<vmem>>
        %dma_wait3A_24 = tpu.memref_squeeze %dma_wait3A_23 : memref<1x128xi32, #tpu.memory_space<vmem>> -> memref<128xi32, #tpu.memory_space<vmem>>
        %dma_wait3A_25 = arith.constant 0 : i32
        %dma_wait3A_26 = arith.constant 0 : i32
        %dma_wait3A_27 = tpu.memref_slice %arg2[%dma_wait3A_25, %dma_wait3A_26] : memref<10000x128xf32, #tpu.memory_space<hbm>> -> memref<10000x128xf32, #tpu.memory_space<hbm>>
        tpu.wait_indirect_dma semaphore(%run_scoped3A : memref<!tpu.dma_semaphore, #tpu.memory_space<semaphore_mem>>) src(%dma_wait3A_27 : memref<10000x128xf32, #tpu.memory_space<hbm>>) dst(%arg9 : memref<128x128xf32, #tpu.memory_space<vmem>>)
        tpu.yield
      }) : () -> ()
      "tpu.region"() ({
        %run_scoped3A = tpu.sem_alloc : memref<!tpu.dma_semaphore, #tpu.memory_space<semaphore_mem>>
        %dma_start3A = arith.constant 0 : i32
        %dma_start3A_18 = tpu.memref_slice %arg8[%scan3A_17, %dma_start3A] : memref<80x128xi32, #tpu.memory_space<vmem>> -> memref<1x128xi32, #tpu.memory_space<vmem>>
        %dma_start3A_19 = tpu.memref_squeeze %dma_start3A_18 : memref<1x128xi32, #tpu.memory_space<vmem>> -> memref<128xi32, #tpu.memory_space<vmem>>
        %dma_start3A_20 = arith.constant 0 : i32
        %dma_start3A_21 = arith.constant 0 : i32
        %dma_start3A_22 = tpu.memref_slice %arg10[%dma_start3A_20, %dma_start3A_21] : memref<10112x128xf32, #tpu.memory_space<vmem_shared>> -> memref<10112x128xf32, #tpu.memory_space<vmem_shared>>
        tpu.enqueue_indirect_dma source(%arg9 : memref<128x128xf32, #tpu.memory_space<vmem>>) target(%dma_start3A_22 : memref<10112x128xf32, #tpu.memory_space<vmem_shared>>) offsets(%dma_start3A_19 : memref<128xi32, #tpu.memory_space<vmem>>) semaphore(%run_scoped3A : memref<!tpu.dma_semaphore, #tpu.memory_space<semaphore_mem>>) {add = true}
        %dma_wait3A = arith.constant 0 : i32
        %dma_wait3A_23 = tpu.memref_slice %arg8[%scan3A_17, %dma_wait3A] : memref<80x128xi32, #tpu.memory_space<vmem>> -> memref<1x128xi32, #tpu.memory_space<vmem>>
        %dma_wait3A_24 = tpu.memref_squeeze %dma_wait3A_23 : memref<1x128xi32, #tpu.memory_space<vmem>> -> memref<128xi32, #tpu.memory_space<vmem>>
        %dma_wait3A_25 = arith.constant 0 : i32
        %dma_wait3A_26 = arith.constant 0 : i32
        %dma_wait3A_27 = tpu.memref_slice %arg10[%dma_wait3A_25, %dma_wait3A_26] : memref<10112x128xf32, #tpu.memory_space<vmem_shared>> -> memref<10112x128xf32, #tpu.memory_space<vmem_shared>>
        tpu.wait_indirect_dma semaphore(%run_scoped3A : memref<!tpu.dma_semaphore, #tpu.memory_space<semaphore_mem>>) src(%arg9 : memref<128x128xf32, #tpu.memory_space<vmem>>) dst(%dma_wait3A_27 : memref<10112x128xf32, #tpu.memory_space<vmem_shared>>)
        tpu.yield
      }) : () -> ()
    }
    %scan3A_11 = arith.constant 80 : i32
    %barrier3A_12 = arith.constant 0 : index
    tpu.barrier barrier_id(%barrier3A_12)
    %mul3A_13 = arith.constant 632 : i32
    %mul3A_14 = arith.muli %arg1, %mul3A_13 : i32
    %mul3A_15 = arith.constant 632 : i32
    %mul3A_16 = arith.muli %arg1, %mul3A_15 : i32
    "tpu.region"() ({
      %run_scoped3A = tpu.sem_alloc : memref<!tpu.dma_semaphore, #tpu.memory_space<semaphore_mem>>
      %dma_start3A = arith.constant 0 : i32
      %dma_start3A_17 = tpu.memref_slice %arg6[%arg0, %mul3A_16, %dma_start3A] : memref<2x10112x128xf32, #tpu.memory_space<hbm>> -> memref<1x632x128xf32, #tpu.memory_space<hbm>>
      %dma_start3A_18 = tpu.memref_squeeze %dma_start3A_17 : memref<1x632x128xf32, #tpu.memory_space<hbm>> -> memref<632x128xf32, #tpu.memory_space<hbm>>
      %dma_start3A_19 = arith.constant 0 : i32
      %dma_start3A_20 = tpu.memref_slice %arg10[%mul3A_14, %dma_start3A_19] : memref<10112x128xf32, #tpu.memory_space<vmem_shared>> -> memref<632x128xf32, #tpu.memory_space<vmem_shared>>
      tpu.enqueue_dma source(%dma_start3A_20 : memref<632x128xf32, #tpu.memory_space<vmem_shared>>) target(%dma_start3A_18 : memref<632x128xf32, #tpu.memory_space<hbm>>) target_semaphore(%run_scoped3A : memref<!tpu.dma_semaphore, #tpu.memory_space<semaphore_mem>>)
      %dma_wait3A = arith.constant 0 : i32
      %dma_wait3A_21 = tpu.memref_slice %arg6[%arg0, %mul3A_16, %dma_wait3A] : memref<2x10112x128xf32, #tpu.memory_space<hbm>> -> memref<1x632x128xf32, #tpu.memory_space<hbm>>
      %dma_wait3A_22 = tpu.memref_squeeze %dma_wait3A_21 : memref<1x632x128xf32, #tpu.memory_space<hbm>> -> memref<632x128xf32, #tpu.memory_space<hbm>>
      %dma_wait3A_23 = arith.constant 0 : i32
      %dma_wait3A_24 = tpu.memref_slice %arg10[%mul3A_14, %dma_wait3A_23] : memref<10112x128xf32, #tpu.memory_space<vmem_shared>> -> memref<632x128xf32, #tpu.memory_space<vmem_shared>>
      tpu.wait_dma2 semaphore(%run_scoped3A : memref<!tpu.dma_semaphore, #tpu.memory_space<semaphore_mem>>) src(%dma_wait3A_24 : memref<632x128xf32, #tpu.memory_space<vmem_shared>>) dst(%dma_wait3A_22 : memref<632x128xf32, #tpu.memory_space<hbm>>)
      tpu.yield
    }) : () -> ()
    return
  }
}

#map = affine_map<(d0, d1) -> (0, 0)>
#map1 = affine_map<(d0, d1) -> (0, 0, 0)>
module attributes {stable_mosaic.version = 14 : i64} {
  func.func @k(%arg0: i32, %arg1: i32, %arg2: memref<2560x128xi32, #tpu.memory_space<hbm>>, %arg3: memref<632x16xf32, #tpu.memory_space<hbm>>, %arg4: memref<128x16xf32, #tpu.memory_space<hbm>>, %arg5: memref<2x10112x16xf32, #tpu.memory_space<hbm>>, %arg6: memref<80x128xi32, #tpu.memory_space<vmem>>, %arg7: memref<128x16xf32, #tpu.memory_space<vmem>>, %arg8: memref<10112x16xf32, #tpu.memory_space<vmem_shared>>) attributes {dimension_semantics = [#tpu.dimension_semantics<core_parallel>, #tpu.dimension_semantics<subcore_parallel>], iteration_bounds = array<i64: 2, 16>, scalar_prefetch = 0 : i64, scratch_operands = 3 : i64, tpu.core_type = #tpu.core_type<sc_vector_subcore>, window_params = [{transform_indices = #map}, {transform_indices = #map}, {transform_indices = #map}, {transform_indices = #map1}]} {
    %mul3A = arith.constant 16 : i32
    %mul3A_0 = arith.muli %arg0, %mul3A : i32
    %add3A = arith.addi %mul3A_0, %arg1 : i32
    %mul3A_1 = arith.constant 632 : i32
    %mul3A_2 = arith.muli %arg1, %mul3A_1 : i32
    "tpu.region"() ({
      %run_scoped3A = tpu.sem_alloc : memref<!tpu.dma_semaphore, #tpu.memory_space<semaphore_mem>>
      %dma_start3A = arith.constant 0 : i32
      %dma_start3A_15 = tpu.memref_slice %arg8[%mul3A_2, %dma_start3A] : memref<10112x16xf32, #tpu.memory_space<vmem_shared>> -> memref<632x16xf32, #tpu.memory_space<vmem_shared>>
      tpu.enqueue_dma source(%arg3 : memref<632x16xf32, #tpu.memory_space<hbm>>) target(%dma_start3A_15 : memref<632x16xf32, #tpu.memory_space<vmem_shared>>) target_semaphore(%run_scoped3A : memref<!tpu.dma_semaphore, #tpu.memory_space<semaphore_mem>>)
      %dma_wait3A = arith.constant 0 : i32
      %dma_wait3A_16 = tpu.memref_slice %arg8[%mul3A_2, %dma_wait3A] : memref<10112x16xf32, #tpu.memory_space<vmem_shared>> -> memref<632x16xf32, #tpu.memory_space<vmem_shared>>
      tpu.wait_dma2 semaphore(%run_scoped3A : memref<!tpu.dma_semaphore, #tpu.memory_space<semaphore_mem>>) src(%arg3 : memref<632x16xf32, #tpu.memory_space<hbm>>) dst(%dma_wait3A_16 : memref<632x16xf32, #tpu.memory_space<vmem_shared>>)
      tpu.yield
    }) : () -> ()
    "tpu.region"() ({
      %run_scoped3A = tpu.sem_alloc : memref<!tpu.dma_semaphore, #tpu.memory_space<semaphore_mem>>
      tpu.enqueue_dma source(%arg4 : memref<128x16xf32, #tpu.memory_space<hbm>>) target(%arg7 : memref<128x16xf32, #tpu.memory_space<vmem>>) target_semaphore(%run_scoped3A : memref<!tpu.dma_semaphore, #tpu.memory_space<semaphore_mem>>)
      tpu.wait_dma2 semaphore(%run_scoped3A : memref<!tpu.dma_semaphore, #tpu.memory_space<semaphore_mem>>) src(%arg4 : memref<128x16xf32, #tpu.memory_space<hbm>>) dst(%arg7 : memref<128x16xf32, #tpu.memory_space<vmem>>)
      tpu.yield
    }) : () -> ()
    %mul3A_3 = arith.constant 80 : i32
    %mul3A_4 = arith.muli %add3A, %mul3A_3 : i32
    "tpu.region"() ({
      %run_scoped3A = tpu.sem_alloc : memref<!tpu.dma_semaphore, #tpu.memory_space<semaphore_mem>>
      %dma_start3A = arith.constant 0 : i32
      %dma_start3A_15 = tpu.memref_slice %arg2[%mul3A_4, %dma_start3A] : memref<2560x128xi32, #tpu.memory_space<hbm>> -> memref<80x128xi32, #tpu.memory_space<hbm>>
      %dma_start3A_16 = arith.constant 0 : i32
      %dma_start3A_17 = tpu.memref_slice %arg2[%mul3A_4, %dma_start3A_16] : memref<2560x128xi32, #tpu.memory_space<hbm>> -> memref<80x128xi32, #tpu.memory_space<hbm>>
      tpu.enqueue_dma source(%dma_start3A_17 : memref<80x128xi32, #tpu.memory_space<hbm>>) target(%arg6 : memref<80x128xi32, #tpu.memory_space<vmem>>) target_semaphore(%run_scoped3A : memref<!tpu.dma_semaphore, #tpu.memory_space<semaphore_mem>>)
      %dma_wait3A = arith.constant 0 : i32
      %dma_wait3A_18 = tpu.memref_slice %arg2[%mul3A_4, %dma_wait3A] : memref<2560x128xi32, #tpu.memory_space<hbm>> -> memref<80x128xi32, #tpu.memory_space<hbm>>
      %dma_wait3A_19 = arith.constant 0 : i32
      %dma_wait3A_20 = tpu.memref_slice %arg2[%mul3A_4, %dma_wait3A_19] : memref<2560x128xi32, #tpu.memory_space<hbm>> -> memref<80x128xi32, #tpu.memory_space<hbm>>
      tpu.wait_dma2 semaphore(%run_scoped3A : memref<!tpu.dma_semaphore, #tpu.memory_space<semaphore_mem>>) src(%dma_wait3A_20 : memref<80x128xi32, #tpu.memory_space<hbm>>) dst(%arg6 : memref<80x128xi32, #tpu.memory_space<vmem>>)
      tpu.yield
    }) : () -> ()
    %barrier3A = arith.constant 0 : index
    tpu.barrier barrier_id(%barrier3A)
    %scan3A = arith.constant 0 : i32
    %scan3A_5 = arith.constant 0 : i32
    %scan3A_6 = arith.constant 80 : i32
    %scan3A_7 = arith.addi %scan3A_5, %scan3A_6 : i32
    %scan3A_8 = arith.constant 1 : i32
    scf.for %scan3A_15 = %scan3A_5 to %scan3A_7 step %scan3A_8  : i32 {
      "tpu.region"() ({
        %run_scoped3A = tpu.sem_alloc : memref<!tpu.dma_semaphore, #tpu.memory_space<semaphore_mem>>
        %dma_start3A = arith.constant 0 : i32
        %dma_start3A_16 = tpu.memref_slice %arg6[%scan3A_15, %dma_start3A] : memref<80x128xi32, #tpu.memory_space<vmem>> -> memref<1x128xi32, #tpu.memory_space<vmem>>
        %dma_start3A_17 = tpu.memref_squeeze %dma_start3A_16 : memref<1x128xi32, #tpu.memory_space<vmem>> -> memref<128xi32, #tpu.memory_space<vmem>>
        %dma_start3A_18 = arith.constant 0 : i32
        %dma_start3A_19 = arith.constant 0 : i32
        %dma_start3A_20 = tpu.memref_slice %arg8[%dma_start3A_18, %dma_start3A_19] : memref<10112x16xf32, #tpu.memory_space<vmem_shared>> -> memref<10112x16xf32, #tpu.memory_space<vmem_shared>>
        tpu.enqueue_indirect_dma source(%arg7 : memref<128x16xf32, #tpu.memory_space<vmem>>) target(%dma_start3A_20 : memref<10112x16xf32, #tpu.memory_space<vmem_shared>>) offsets(%dma_start3A_17 : memref<128xi32, #tpu.memory_space<vmem>>) semaphore(%run_scoped3A : memref<!tpu.dma_semaphore, #tpu.memory_space<semaphore_mem>>) {add = true}
        %dma_wait3A = arith.constant 0 : i32
        %dma_wait3A_21 = tpu.memref_slice %arg6[%scan3A_15, %dma_wait3A] : memref<80x128xi32, #tpu.memory_space<vmem>> -> memref<1x128xi32, #tpu.memory_space<vmem>>
        %dma_wait3A_22 = tpu.memref_squeeze %dma_wait3A_21 : memref<1x128xi32, #tpu.memory_space<vmem>> -> memref<128xi32, #tpu.memory_space<vmem>>
        %dma_wait3A_23 = arith.constant 0 : i32
        %dma_wait3A_24 = arith.constant 0 : i32
        %dma_wait3A_25 = tpu.memref_slice %arg8[%dma_wait3A_23, %dma_wait3A_24] : memref<10112x16xf32, #tpu.memory_space<vmem_shared>> -> memref<10112x16xf32, #tpu.memory_space<vmem_shared>>
        tpu.wait_indirect_dma semaphore(%run_scoped3A : memref<!tpu.dma_semaphore, #tpu.memory_space<semaphore_mem>>) src(%arg7 : memref<128x16xf32, #tpu.memory_space<vmem>>) dst(%dma_wait3A_25 : memref<10112x16xf32, #tpu.memory_space<vmem_shared>>)
        tpu.yield
      }) : () -> ()
    }
    %scan3A_9 = arith.constant 80 : i32
    %barrier3A_10 = arith.constant 0 : index
    tpu.barrier barrier_id(%barrier3A_10)
    %mul3A_11 = arith.constant 632 : i32
    %mul3A_12 = arith.muli %arg1, %mul3A_11 : i32
    %mul3A_13 = arith.constant 632 : i32
    %mul3A_14 = arith.muli %arg1, %mul3A_13 : i32
    "tpu.region"() ({
      %run_scoped3A = tpu.sem_alloc : memref<!tpu.dma_semaphore, #tpu.memory_space<semaphore_mem>>
      %dma_start3A = arith.constant 0 : i32
      %dma_start3A_15 = tpu.memref_slice %arg5[%arg0, %mul3A_14, %dma_start3A] : memref<2x10112x16xf32, #tpu.memory_space<hbm>> -> memref<1x632x16xf32, #tpu.memory_space<hbm>>
      %dma_start3A_16 = tpu.memref_squeeze %dma_start3A_15 : memref<1x632x16xf32, #tpu.memory_space<hbm>> -> memref<632x16xf32, #tpu.memory_space<hbm>>
      %dma_start3A_17 = arith.constant 0 : i32
      %dma_start3A_18 = tpu.memref_slice %arg8[%mul3A_12, %dma_start3A_17] : memref<10112x16xf32, #tpu.memory_space<vmem_shared>> -> memref<632x16xf32, #tpu.memory_space<vmem_shared>>
      tpu.enqueue_dma source(%dma_start3A_18 : memref<632x16xf32, #tpu.memory_space<vmem_shared>>) target(%dma_start3A_16 : memref<632x16xf32, #tpu.memory_space<hbm>>) target_semaphore(%run_scoped3A : memref<!tpu.dma_semaphore, #tpu.memory_space<semaphore_mem>>)
      %dma_wait3A = arith.constant 0 : i32
      %dma_wait3A_19 = tpu.memref_slice %arg5[%arg0, %mul3A_14, %dma_wait3A] : memref<2x10112x16xf32, #tpu.memory_space<hbm>> -> memref<1x632x16xf32, #tpu.memory_space<hbm>>
      %dma_wait3A_20 = tpu.memref_squeeze %dma_wait3A_19 : memref<1x632x16xf32, #tpu.memory_space<hbm>> -> memref<632x16xf32, #tpu.memory_space<hbm>>
      %dma_wait3A_21 = arith.constant 0 : i32
      %dma_wait3A_22 = tpu.memref_slice %arg8[%mul3A_12, %dma_wait3A_21] : memref<10112x16xf32, #tpu.memory_space<vmem_shared>> -> memref<632x16xf32, #tpu.memory_space<vmem_shared>>
      tpu.wait_dma2 semaphore(%run_scoped3A : memref<!tpu.dma_semaphore, #tpu.memory_space<semaphore_mem>>) src(%dma_wait3A_22 : memref<632x16xf32, #tpu.memory_space<vmem_shared>>) dst(%dma_wait3A_20 : memref<632x16xf32, #tpu.memory_space<hbm>>)
      tpu.yield
    }) : () -> ()
    return
  }
}

#map = affine_map<(d0, d1) -> (0, 0)>
#map1 = affine_map<(d0, d1) -> (0, 0, 0)>
module attributes {stable_mosaic.version = 14 : i64} {
  func.func @k(%arg0: i32, %arg1: i32, %arg2: memref<10000x128xf32, #tpu.memory_space<hbm>>, %arg3: memref<2560x128xi32, #tpu.memory_space<hbm>>, %arg4: memref<2560x128xi32, #tpu.memory_space<hbm>>, %arg5: memref<632x128xf32, #tpu.memory_space<hbm>>, %arg6: memref<2x10112x128xf32, #tpu.memory_space<hbm>>, %arg7: memref<80x128xi32, #tpu.memory_space<vmem>>, %arg8: memref<80x128xi32, #tpu.memory_space<vmem>>, %arg9: memref<128x128xf32, #tpu.memory_space<vmem>>, %arg10: memref<10112x128xf32, #tpu.memory_space<vmem_shared>>) attributes {dimension_semantics = [#tpu.dimension_semantics<core_parallel>, #tpu.dimension_semantics<subcore_parallel>], iteration_bounds = array<i64: 2, 16>, scalar_prefetch = 0 : i64, scratch_operands = 4 : i64, tpu.core_type = #tpu.core_type<sc_vector_subcore>, window_params = [{transform_indices = #map}, {transform_indices = #map}, {transform_indices = #map}, {transform_indices = #map}, {transform_indices = #map1}]} {
    %mul3A = arith.constant 16 : i32
    %mul3A_0 = arith.muli %arg0, %mul3A : i32
    %add3A = arith.addi %mul3A_0, %arg1 : i32
    %mul3A_1 = arith.constant 632 : i32
    %mul3A_2 = arith.muli %arg1, %mul3A_1 : i32
    "tpu.region"() ({
      %run_scoped3A = tpu.sem_alloc : memref<!tpu.dma_semaphore, #tpu.memory_space<semaphore_mem>>
      %dma_start3A = arith.constant 0 : i32
      %dma_start3A_17 = tpu.memref_slice %arg10[%mul3A_2, %dma_start3A] : memref<10112x128xf32, #tpu.memory_space<vmem_shared>> -> memref<632x128xf32, #tpu.memory_space<vmem_shared>>
      tpu.enqueue_dma source(%arg5 : memref<632x128xf32, #tpu.memory_space<hbm>>) target(%dma_start3A_17 : memref<632x128xf32, #tpu.memory_space<vmem_shared>>) target_semaphore(%run_scoped3A : memref<!tpu.dma_semaphore, #tpu.memory_space<semaphore_mem>>)
      %dma_wait3A = arith.constant 0 : i32
      %dma_wait3A_18 = tpu.memref_slice %arg10[%mul3A_2, %dma_wait3A] : memref<10112x128xf32, #tpu.memory_space<vmem_shared>> -> memref<632x128xf32, #tpu.memory_space<vmem_shared>>
      tpu.wait_dma2 semaphore(%run_scoped3A : memref<!tpu.dma_semaphore, #tpu.memory_space<semaphore_mem>>) src(%arg5 : memref<632x128xf32, #tpu.memory_space<hbm>>) dst(%dma_wait3A_18 : memref<632x128xf32, #tpu.memory_space<vmem_shared>>)
      tpu.yield
    }) : () -> ()
    %mul3A_3 = arith.constant 80 : i32
    %mul3A_4 = arith.muli %add3A, %mul3A_3 : i32
    "tpu.region"() ({
      %run_scoped3A = tpu.sem_alloc : memref<!tpu.dma_semaphore, #tpu.memory_space<semaphore_mem>>
      %dma_start3A = arith.constant 0 : i32
      %dma_start3A_17 = tpu.memref_slice %arg3[%mul3A_4, %dma_start3A] : memref<2560x128xi32, #tpu.memory_space<hbm>> -> memref<80x128xi32, #tpu.memory_space<hbm>>
      %dma_start3A_18 = arith.constant 0 : i32
      %dma_start3A_19 = tpu.memref_slice %arg3[%mul3A_4, %dma_start3A_18] : memref<2560x128xi32, #tpu.memory_space<hbm>> -> memref<80x128xi32, #tpu.memory_space<hbm>>
      tpu.enqueue_dma source(%dma_start3A_19 : memref<80x128xi32, #tpu.memory_space<hbm>>) target(%arg7 : memref<80x128xi32, #tpu.memory_space<vmem>>) target_semaphore(%run_scoped3A : memref<!tpu.dma_semaphore, #tpu.memory_space<semaphore_mem>>)
      %dma_wait3A = arith.constant 0 : i32
      %dma_wait3A_20 = tpu.memref_slice %arg3[%mul3A_4, %dma_wait3A] : memref<2560x128xi32, #tpu.memory_space<hbm>> -> memref<80x128xi32, #tpu.memory_space<hbm>>
      %dma_wait3A_21 = arith.constant 0 : i32
      %dma_wait3A_22 = tpu.memref_slice %arg3[%mul3A_4, %dma_wait3A_21] : memref<2560x128xi32, #tpu.memory_space<hbm>> -> memref<80x128xi32, #tpu.memory_space<hbm>>
      tpu.wait_dma2 semaphore(%run_scoped3A : memref<!tpu.dma_semaphore, #tpu.memory_space<semaphore_mem>>) src(%dma_wait3A_22 : memref<80x128xi32, #tpu.memory_space<hbm>>) dst(%arg7 : memref<80x128xi32, #tpu.memory_space<vmem>>)
      tpu.yield
    }) : () -> ()
    %mul3A_5 = arith.constant 80 : i32
    %mul3A_6 = arith.muli %add3A, %mul3A_5 : i32
    "tpu.region"() ({
      %run_scoped3A = tpu.sem_alloc : memref<!tpu.dma_semaphore, #tpu.memory_space<semaphore_mem>>
      %dma_start3A = arith.constant 0 : i32
      %dma_start3A_17 = tpu.memref_slice %arg4[%mul3A_6, %dma_start3A] : memref<2560x128xi32, #tpu.memory_space<hbm>> -> memref<80x128xi32, #tpu.memory_space<hbm>>
      %dma_start3A_18 = arith.constant 0 : i32
      %dma_start3A_19 = tpu.memref_slice %arg4[%mul3A_6, %dma_start3A_18] : memref<2560x128xi32, #tpu.memory_space<hbm>> -> memref<80x128xi32, #tpu.memory_space<hbm>>
      tpu.enqueue_dma source(%dma_start3A_19 : memref<80x128xi32, #tpu.memory_space<hbm>>) target(%arg8 : memref<80x128xi32, #tpu.memory_space<vmem>>) target_semaphore(%run_scoped3A : memref<!tpu.dma_semaphore, #tpu.memory_space<semaphore_mem>>)
      %dma_wait3A = arith.constant 0 : i32
      %dma_wait3A_20 = tpu.memref_slice %arg4[%mul3A_6, %dma_wait3A] : memref<2560x128xi32, #tpu.memory_space<hbm>> -> memref<80x128xi32, #tpu.memory_space<hbm>>
      %dma_wait3A_21 = arith.constant 0 : i32
      %dma_wait3A_22 = tpu.memref_slice %arg4[%mul3A_6, %dma_wait3A_21] : memref<2560x128xi32, #tpu.memory_space<hbm>> -> memref<80x128xi32, #tpu.memory_space<hbm>>
      tpu.wait_dma2 semaphore(%run_scoped3A : memref<!tpu.dma_semaphore, #tpu.memory_space<semaphore_mem>>) src(%dma_wait3A_22 : memref<80x128xi32, #tpu.memory_space<hbm>>) dst(%arg8 : memref<80x128xi32, #tpu.memory_space<vmem>>)
      tpu.yield
    }) : () -> ()
    %barrier3A = arith.constant 0 : index
    tpu.barrier barrier_id(%barrier3A)
    %scan3A = arith.constant 0 : i32
    %scan3A_7 = arith.constant 0 : i32
    %scan3A_8 = arith.constant 80 : i32
    %scan3A_9 = arith.addi %scan3A_7, %scan3A_8 : i32
    %scan3A_10 = arith.constant 1 : i32
    scf.for %scan3A_17 = %scan3A_7 to %scan3A_9 step %scan3A_10  : i32 {
      "tpu.region"() ({
        %run_scoped3A = tpu.sem_alloc : memref<!tpu.dma_semaphore, #tpu.memory_space<semaphore_mem>>
        %dma_start3A = arith.constant 0 : i32
        %dma_start3A_18 = tpu.memref_slice %arg7[%scan3A_17, %dma_start3A] : memref<80x128xi32, #tpu.memory_space<vmem>> -> memref<1x128xi32, #tpu.memory_space<vmem>>
        %dma_start3A_19 = tpu.memref_squeeze %dma_start3A_18 : memref<1x128xi32, #tpu.memory_space<vmem>> -> memref<128xi32, #tpu.memory_space<vmem>>
        %dma_start3A_20 = arith.constant 0 : i32
        %dma_start3A_21 = arith.constant 0 : i32
        %dma_start3A_22 = tpu.memref_slice %arg2[%dma_start3A_20, %dma_start3A_21] : memref<10000x128xf32, #tpu.memory_space<hbm>> -> memref<10000x128xf32, #tpu.memory_space<hbm>>
        tpu.enqueue_indirect_dma source(%dma_start3A_22 : memref<10000x128xf32, #tpu.memory_space<hbm>>) target(%arg9 : memref<128x128xf32, #tpu.memory_space<vmem>>) offsets(%dma_start3A_19 : memref<128xi32, #tpu.memory_space<vmem>>) semaphore(%run_scoped3A : memref<!tpu.dma_semaphore, #tpu.memory_space<semaphore_mem>>)
        %dma_wait3A = arith.constant 0 : i32
        %dma_wait3A_23 = tpu.memref_slice %arg7[%scan3A_17, %dma_wait3A] : memref<80x128xi32, #tpu.memory_space<vmem>> -> memref<1x128xi32, #tpu.memory_space<vmem>>
        %dma_wait3A_24 = tpu.memref_squeeze %dma_wait3A_23 : memref<1x128xi32, #tpu.memory_space<vmem>> -> memref<128xi32, #tpu.memory_space<vmem>>
        %dma_wait3A_25 = arith.constant 0 : i32
        %dma_wait3A_26 = arith.constant 0 : i32
        %dma_wait3A_27 = tpu.memref_slice %arg2[%dma_wait3A_25, %dma_wait3A_26] : memref<10000x128xf32, #tpu.memory_space<hbm>> -> memref<10000x128xf32, #tpu.memory_space<hbm>>
        tpu.wait_indirect_dma semaphore(%run_scoped3A : memref<!tpu.dma_semaphore, #tpu.memory_space<semaphore_mem>>) src(%dma_wait3A_27 : memref<10000x128xf32, #tpu.memory_space<hbm>>) dst(%arg9 : memref<128x128xf32, #tpu.memory_space<vmem>>)
        tpu.yield
      }) : () -> ()
      "tpu.region"() ({
        %run_scoped3A = tpu.sem_alloc : memref<!tpu.dma_semaphore, #tpu.memory_space<semaphore_mem>>
        %dma_start3A = arith.constant 0 : i32
        %dma_start3A_18 = tpu.memref_slice %arg8[%scan3A_17, %dma_start3A] : memref<80x128xi32, #tpu.memory_space<vmem>> -> memref<1x128xi32, #tpu.memory_space<vmem>>
        %dma_start3A_19 = tpu.memref_squeeze %dma_start3A_18 : memref<1x128xi32, #tpu.memory_space<vmem>> -> memref<128xi32, #tpu.memory_space<vmem>>
        %dma_start3A_20 = arith.constant 0 : i32
        %dma_start3A_21 = arith.constant 0 : i32
        %dma_start3A_22 = tpu.memref_slice %arg10[%dma_start3A_20, %dma_start3A_21] : memref<10112x128xf32, #tpu.memory_space<vmem_shared>> -> memref<10112x128xf32, #tpu.memory_space<vmem_shared>>
        tpu.enqueue_indirect_dma source(%arg9 : memref<128x128xf32, #tpu.memory_space<vmem>>) target(%dma_start3A_22 : memref<10112x128xf32, #tpu.memory_space<vmem_shared>>) offsets(%dma_start3A_19 : memref<128xi32, #tpu.memory_space<vmem>>) semaphore(%run_scoped3A : memref<!tpu.dma_semaphore, #tpu.memory_space<semaphore_mem>>) {add = true}
        %dma_wait3A = arith.constant 0 : i32
        %dma_wait3A_23 = tpu.memref_slice %arg8[%scan3A_17, %dma_wait3A] : memref<80x128xi32, #tpu.memory_space<vmem>> -> memref<1x128xi32, #tpu.memory_space<vmem>>
        %dma_wait3A_24 = tpu.memref_squeeze %dma_wait3A_23 : memref<1x128xi32, #tpu.memory_space<vmem>> -> memref<128xi32, #tpu.memory_space<vmem>>
        %dma_wait3A_25 = arith.constant 0 : i32
        %dma_wait3A_26 = arith.constant 0 : i32
        %dma_wait3A_27 = tpu.memref_slice %arg10[%dma_wait3A_25, %dma_wait3A_26] : memref<10112x128xf32, #tpu.memory_space<vmem_shared>> -> memref<10112x128xf32, #tpu.memory_space<vmem_shared>>
        tpu.wait_indirect_dma semaphore(%run_scoped3A : memref<!tpu.dma_semaphore, #tpu.memory_space<semaphore_mem>>) src(%arg9 : memref<128x128xf32, #tpu.memory_space<vmem>>) dst(%dma_wait3A_27 : memref<10112x128xf32, #tpu.memory_space<vmem_shared>>)
        tpu.yield
      }) : () -> ()
    }
    %scan3A_11 = arith.constant 80 : i32
    %barrier3A_12 = arith.constant 0 : index
    tpu.barrier barrier_id(%barrier3A_12)
    %mul3A_13 = arith.constant 632 : i32
    %mul3A_14 = arith.muli %arg1, %mul3A_13 : i32
    %mul3A_15 = arith.constant 632 : i32
    %mul3A_16 = arith.muli %arg1, %mul3A_15 : i32
    "tpu.region"() ({
      %run_scoped3A = tpu.sem_alloc : memref<!tpu.dma_semaphore, #tpu.memory_space<semaphore_mem>>
      %dma_start3A = arith.constant 0 : i32
      %dma_start3A_17 = tpu.memref_slice %arg6[%arg0, %mul3A_16, %dma_start3A] : memref<2x10112x128xf32, #tpu.memory_space<hbm>> -> memref<1x632x128xf32, #tpu.memory_space<hbm>>
      %dma_start3A_18 = tpu.memref_squeeze %dma_start3A_17 : memref<1x632x128xf32, #tpu.memory_space<hbm>> -> memref<632x128xf32, #tpu.memory_space<hbm>>
      %dma_start3A_19 = arith.constant 0 : i32
      %dma_start3A_20 = tpu.memref_slice %arg10[%mul3A_14, %dma_start3A_19] : memref<10112x128xf32, #tpu.memory_space<vmem_shared>> -> memref<632x128xf32, #tpu.memory_space<vmem_shared>>
      tpu.enqueue_dma source(%dma_start3A_20 : memref<632x128xf32, #tpu.memory_space<vmem_shared>>) target(%dma_start3A_18 : memref<632x128xf32, #tpu.memory_space<hbm>>) target_semaphore(%run_scoped3A : memref<!tpu.dma_semaphore, #tpu.memory_space<semaphore_mem>>)
      %dma_wait3A = arith.constant 0 : i32
      %dma_wait3A_21 = tpu.memref_slice %arg6[%arg0, %mul3A_16, %dma_wait3A] : memref<2x10112x128xf32, #tpu.memory_space<hbm>> -> memref<1x632x128xf32, #tpu.memory_space<hbm>>
      %dma_wait3A_22 = tpu.memref_squeeze %dma_wait3A_21 : memref<1x632x128xf32, #tpu.memory_space<hbm>> -> memref<632x128xf32, #tpu.memory_space<hbm>>
      %dma_wait3A_23 = arith.constant 0 : i32
      %dma_wait3A_24 = tpu.memref_slice %arg10[%mul3A_14, %dma_wait3A_23] : memref<10112x128xf32, #tpu.memory_space<vmem_shared>> -> memref<632x128xf32, #tpu.memory_space<vmem_shared>>
      tpu.wait_dma2 semaphore(%run_scoped3A : memref<!tpu.dma_semaphore, #tpu.memory_space<semaphore_mem>>) src(%dma_wait3A_24 : memref<632x128xf32, #tpu.memory_space<vmem_shared>>) dst(%dma_wait3A_22 : memref<632x128xf32, #tpu.memory_space<hbm>>)
      tpu.yield
    }) : () -> ()
    return
  }
}

#map = affine_map<(d0, d1) -> (0, 0)>
#map1 = affine_map<(d0, d1) -> (0, 0, 0)>
module attributes {stable_mosaic.version = 14 : i64} {
  func.func @k(%arg0: i32, %arg1: i32, %arg2: memref<10000x128xf32, #tpu.memory_space<hbm>>, %arg3: memref<2560x128xi32, #tpu.memory_space<hbm>>, %arg4: memref<2560x128xi32, #tpu.memory_space<hbm>>, %arg5: memref<632x128xf32, #tpu.memory_space<hbm>>, %arg6: memref<2x10112x128xf32, #tpu.memory_space<hbm>>, %arg7: memref<80x128xi32, #tpu.memory_space<vmem>>, %arg8: memref<80x128xi32, #tpu.memory_space<vmem>>, %arg9: memref<128x128xf32, #tpu.memory_space<vmem>>, %arg10: memref<10112x128xf32, #tpu.memory_space<vmem_shared>>) attributes {dimension_semantics = [#tpu.dimension_semantics<core_parallel>, #tpu.dimension_semantics<subcore_parallel>], iteration_bounds = array<i64: 2, 16>, scalar_prefetch = 0 : i64, scratch_operands = 4 : i64, tpu.core_type = #tpu.core_type<sc_vector_subcore>, window_params = [{transform_indices = #map}, {transform_indices = #map}, {transform_indices = #map}, {transform_indices = #map}, {transform_indices = #map1}]} {
    %mul3A = arith.constant 16 : i32
    %mul3A_0 = arith.muli %arg0, %mul3A : i32
    %add3A = arith.addi %mul3A_0, %arg1 : i32
    %mul3A_1 = arith.constant 632 : i32
    %mul3A_2 = arith.muli %arg1, %mul3A_1 : i32
    "tpu.region"() ({
      %run_scoped3A = tpu.sem_alloc : memref<!tpu.dma_semaphore, #tpu.memory_space<semaphore_mem>>
      %dma_start3A = arith.constant 0 : i32
      %dma_start3A_17 = tpu.memref_slice %arg10[%mul3A_2, %dma_start3A] : memref<10112x128xf32, #tpu.memory_space<vmem_shared>> -> memref<632x128xf32, #tpu.memory_space<vmem_shared>>
      tpu.enqueue_dma source(%arg5 : memref<632x128xf32, #tpu.memory_space<hbm>>) target(%dma_start3A_17 : memref<632x128xf32, #tpu.memory_space<vmem_shared>>) target_semaphore(%run_scoped3A : memref<!tpu.dma_semaphore, #tpu.memory_space<semaphore_mem>>)
      %dma_wait3A = arith.constant 0 : i32
      %dma_wait3A_18 = tpu.memref_slice %arg10[%mul3A_2, %dma_wait3A] : memref<10112x128xf32, #tpu.memory_space<vmem_shared>> -> memref<632x128xf32, #tpu.memory_space<vmem_shared>>
      tpu.wait_dma2 semaphore(%run_scoped3A : memref<!tpu.dma_semaphore, #tpu.memory_space<semaphore_mem>>) src(%arg5 : memref<632x128xf32, #tpu.memory_space<hbm>>) dst(%dma_wait3A_18 : memref<632x128xf32, #tpu.memory_space<vmem_shared>>)
      tpu.yield
    }) : () -> ()
    %mul3A_3 = arith.constant 80 : i32
    %mul3A_4 = arith.muli %add3A, %mul3A_3 : i32
    "tpu.region"() ({
      %run_scoped3A = tpu.sem_alloc : memref<!tpu.dma_semaphore, #tpu.memory_space<semaphore_mem>>
      %dma_start3A = arith.constant 0 : i32
      %dma_start3A_17 = tpu.memref_slice %arg3[%mul3A_4, %dma_start3A] : memref<2560x128xi32, #tpu.memory_space<hbm>> -> memref<80x128xi32, #tpu.memory_space<hbm>>
      %dma_start3A_18 = arith.constant 0 : i32
      %dma_start3A_19 = tpu.memref_slice %arg3[%mul3A_4, %dma_start3A_18] : memref<2560x128xi32, #tpu.memory_space<hbm>> -> memref<80x128xi32, #tpu.memory_space<hbm>>
      tpu.enqueue_dma source(%dma_start3A_19 : memref<80x128xi32, #tpu.memory_space<hbm>>) target(%arg7 : memref<80x128xi32, #tpu.memory_space<vmem>>) target_semaphore(%run_scoped3A : memref<!tpu.dma_semaphore, #tpu.memory_space<semaphore_mem>>)
      %dma_wait3A = arith.constant 0 : i32
      %dma_wait3A_20 = tpu.memref_slice %arg3[%mul3A_4, %dma_wait3A] : memref<2560x128xi32, #tpu.memory_space<hbm>> -> memref<80x128xi32, #tpu.memory_space<hbm>>
      %dma_wait3A_21 = arith.constant 0 : i32
      %dma_wait3A_22 = tpu.memref_slice %arg3[%mul3A_4, %dma_wait3A_21] : memref<2560x128xi32, #tpu.memory_space<hbm>> -> memref<80x128xi32, #tpu.memory_space<hbm>>
      tpu.wait_dma2 semaphore(%run_scoped3A : memref<!tpu.dma_semaphore, #tpu.memory_space<semaphore_mem>>) src(%dma_wait3A_22 : memref<80x128xi32, #tpu.memory_space<hbm>>) dst(%arg7 : memref<80x128xi32, #tpu.memory_space<vmem>>)
      tpu.yield
    }) : () -> ()
    %mul3A_5 = arith.constant 80 : i32
    %mul3A_6 = arith.muli %add3A, %mul3A_5 : i32
    "tpu.region"() ({
      %run_scoped3A = tpu.sem_alloc : memref<!tpu.dma_semaphore, #tpu.memory_space<semaphore_mem>>
      %dma_start3A = arith.constant 0 : i32
      %dma_start3A_17 = tpu.memref_slice %arg4[%mul3A_6, %dma_start3A] : memref<2560x128xi32, #tpu.memory_space<hbm>> -> memref<80x128xi32, #tpu.memory_space<hbm>>
      %dma_start3A_18 = arith.constant 0 : i32
      %dma_start3A_19 = tpu.memref_slice %arg4[%mul3A_6, %dma_start3A_18] : memref<2560x128xi32, #tpu.memory_space<hbm>> -> memref<80x128xi32, #tpu.memory_space<hbm>>
      tpu.enqueue_dma source(%dma_start3A_19 : memref<80x128xi32, #tpu.memory_space<hbm>>) target(%arg8 : memref<80x128xi32, #tpu.memory_space<vmem>>) target_semaphore(%run_scoped3A : memref<!tpu.dma_semaphore, #tpu.memory_space<semaphore_mem>>)
      %dma_wait3A = arith.constant 0 : i32
      %dma_wait3A_20 = tpu.memref_slice %arg4[%mul3A_6, %dma_wait3A] : memref<2560x128xi32, #tpu.memory_space<hbm>> -> memref<80x128xi32, #tpu.memory_space<hbm>>
      %dma_wait3A_21 = arith.constant 0 : i32
      %dma_wait3A_22 = tpu.memref_slice %arg4[%mul3A_6, %dma_wait3A_21] : memref<2560x128xi32, #tpu.memory_space<hbm>> -> memref<80x128xi32, #tpu.memory_space<hbm>>
      tpu.wait_dma2 semaphore(%run_scoped3A : memref<!tpu.dma_semaphore, #tpu.memory_space<semaphore_mem>>) src(%dma_wait3A_22 : memref<80x128xi32, #tpu.memory_space<hbm>>) dst(%arg8 : memref<80x128xi32, #tpu.memory_space<vmem>>)
      tpu.yield
    }) : () -> ()
    %barrier3A = arith.constant 0 : index
    tpu.barrier barrier_id(%barrier3A)
    %scan3A = arith.constant 0 : i32
    %scan3A_7 = arith.constant 0 : i32
    %scan3A_8 = arith.constant 80 : i32
    %scan3A_9 = arith.addi %scan3A_7, %scan3A_8 : i32
    %scan3A_10 = arith.constant 1 : i32
    scf.for %scan3A_17 = %scan3A_7 to %scan3A_9 step %scan3A_10  : i32 {
      "tpu.region"() ({
        %run_scoped3A = tpu.sem_alloc : memref<!tpu.dma_semaphore, #tpu.memory_space<semaphore_mem>>
        %dma_start3A = arith.constant 0 : i32
        %dma_start3A_18 = tpu.memref_slice %arg7[%scan3A_17, %dma_start3A] : memref<80x128xi32, #tpu.memory_space<vmem>> -> memref<1x128xi32, #tpu.memory_space<vmem>>
        %dma_start3A_19 = tpu.memref_squeeze %dma_start3A_18 : memref<1x128xi32, #tpu.memory_space<vmem>> -> memref<128xi32, #tpu.memory_space<vmem>>
        %dma_start3A_20 = arith.constant 0 : i32
        %dma_start3A_21 = arith.constant 0 : i32
        %dma_start3A_22 = tpu.memref_slice %arg2[%dma_start3A_20, %dma_start3A_21] : memref<10000x128xf32, #tpu.memory_space<hbm>> -> memref<10000x128xf32, #tpu.memory_space<hbm>>
        tpu.enqueue_indirect_dma source(%dma_start3A_22 : memref<10000x128xf32, #tpu.memory_space<hbm>>) target(%arg9 : memref<128x128xf32, #tpu.memory_space<vmem>>) offsets(%dma_start3A_19 : memref<128xi32, #tpu.memory_space<vmem>>) semaphore(%run_scoped3A : memref<!tpu.dma_semaphore, #tpu.memory_space<semaphore_mem>>)
        %dma_wait3A = arith.constant 0 : i32
        %dma_wait3A_23 = tpu.memref_slice %arg7[%scan3A_17, %dma_wait3A] : memref<80x128xi32, #tpu.memory_space<vmem>> -> memref<1x128xi32, #tpu.memory_space<vmem>>
        %dma_wait3A_24 = tpu.memref_squeeze %dma_wait3A_23 : memref<1x128xi32, #tpu.memory_space<vmem>> -> memref<128xi32, #tpu.memory_space<vmem>>
        %dma_wait3A_25 = arith.constant 0 : i32
        %dma_wait3A_26 = arith.constant 0 : i32
        %dma_wait3A_27 = tpu.memref_slice %arg2[%dma_wait3A_25, %dma_wait3A_26] : memref<10000x128xf32, #tpu.memory_space<hbm>> -> memref<10000x128xf32, #tpu.memory_space<hbm>>
        tpu.wait_indirect_dma semaphore(%run_scoped3A : memref<!tpu.dma_semaphore, #tpu.memory_space<semaphore_mem>>) src(%dma_wait3A_27 : memref<10000x128xf32, #tpu.memory_space<hbm>>) dst(%arg9 : memref<128x128xf32, #tpu.memory_space<vmem>>)
        tpu.yield
      }) : () -> ()
      "tpu.region"() ({
        %run_scoped3A = tpu.sem_alloc : memref<!tpu.dma_semaphore, #tpu.memory_space<semaphore_mem>>
        %dma_start3A = arith.constant 0 : i32
        %dma_start3A_18 = tpu.memref_slice %arg8[%scan3A_17, %dma_start3A] : memref<80x128xi32, #tpu.memory_space<vmem>> -> memref<1x128xi32, #tpu.memory_space<vmem>>
        %dma_start3A_19 = tpu.memref_squeeze %dma_start3A_18 : memref<1x128xi32, #tpu.memory_space<vmem>> -> memref<128xi32, #tpu.memory_space<vmem>>
        %dma_start3A_20 = arith.constant 0 : i32
        %dma_start3A_21 = arith.constant 0 : i32
        %dma_start3A_22 = tpu.memref_slice %arg10[%dma_start3A_20, %dma_start3A_21] : memref<10112x128xf32, #tpu.memory_space<vmem_shared>> -> memref<10112x128xf32, #tpu.memory_space<vmem_shared>>
        tpu.enqueue_indirect_dma source(%arg9 : memref<128x128xf32, #tpu.memory_space<vmem>>) target(%dma_start3A_22 : memref<10112x128xf32, #tpu.memory_space<vmem_shared>>) offsets(%dma_start3A_19 : memref<128xi32, #tpu.memory_space<vmem>>) semaphore(%run_scoped3A : memref<!tpu.dma_semaphore, #tpu.memory_space<semaphore_mem>>) {add = true}
        %dma_wait3A = arith.constant 0 : i32
        %dma_wait3A_23 = tpu.memref_slice %arg8[%scan3A_17, %dma_wait3A] : memref<80x128xi32, #tpu.memory_space<vmem>> -> memref<1x128xi32, #tpu.memory_space<vmem>>
        %dma_wait3A_24 = tpu.memref_squeeze %dma_wait3A_23 : memref<1x128xi32, #tpu.memory_space<vmem>> -> memref<128xi32, #tpu.memory_space<vmem>>
        %dma_wait3A_25 = arith.constant 0 : i32
        %dma_wait3A_26 = arith.constant 0 : i32
        %dma_wait3A_27 = tpu.memref_slice %arg10[%dma_wait3A_25, %dma_wait3A_26] : memref<10112x128xf32, #tpu.memory_space<vmem_shared>> -> memref<10112x128xf32, #tpu.memory_space<vmem_shared>>
        tpu.wait_indirect_dma semaphore(%run_scoped3A : memref<!tpu.dma_semaphore, #tpu.memory_space<semaphore_mem>>) src(%arg9 : memref<128x128xf32, #tpu.memory_space<vmem>>) dst(%dma_wait3A_27 : memref<10112x128xf32, #tpu.memory_space<vmem_shared>>)
        tpu.yield
      }) : () -> ()
    }
    %scan3A_11 = arith.constant 80 : i32
    %barrier3A_12 = arith.constant 0 : index
    tpu.barrier barrier_id(%barrier3A_12)
    %mul3A_13 = arith.constant 632 : i32
    %mul3A_14 = arith.muli %arg1, %mul3A_13 : i32
    %mul3A_15 = arith.constant 632 : i32
    %mul3A_16 = arith.muli %arg1, %mul3A_15 : i32
    "tpu.region"() ({
      %run_scoped3A = tpu.sem_alloc : memref<!tpu.dma_semaphore, #tpu.memory_space<semaphore_mem>>
      %dma_start3A = arith.constant 0 : i32
      %dma_start3A_17 = tpu.memref_slice %arg6[%arg0, %mul3A_16, %dma_start3A] : memref<2x10112x128xf32, #tpu.memory_space<hbm>> -> memref<1x632x128xf32, #tpu.memory_space<hbm>>
      %dma_start3A_18 = tpu.memref_squeeze %dma_start3A_17 : memref<1x632x128xf32, #tpu.memory_space<hbm>> -> memref<632x128xf32, #tpu.memory_space<hbm>>
      %dma_start3A_19 = arith.constant 0 : i32
      %dma_start3A_20 = tpu.memref_slice %arg10[%mul3A_14, %dma_start3A_19] : memref<10112x128xf32, #tpu.memory_space<vmem_shared>> -> memref<632x128xf32, #tpu.memory_space<vmem_shared>>
      tpu.enqueue_dma source(%dma_start3A_20 : memref<632x128xf32, #tpu.memory_space<vmem_shared>>) target(%dma_start3A_18 : memref<632x128xf32, #tpu.memory_space<hbm>>) target_semaphore(%run_scoped3A : memref<!tpu.dma_semaphore, #tpu.memory_space<semaphore_mem>>)
      %dma_wait3A = arith.constant 0 : i32
      %dma_wait3A_21 = tpu.memref_slice %arg6[%arg0, %mul3A_16, %dma_wait3A] : memref<2x10112x128xf32, #tpu.memory_space<hbm>> -> memref<1x632x128xf32, #tpu.memory_space<hbm>>
      %dma_wait3A_22 = tpu.memref_squeeze %dma_wait3A_21 : memref<1x632x128xf32, #tpu.memory_space<hbm>> -> memref<632x128xf32, #tpu.memory_space<hbm>>
      %dma_wait3A_23 = arith.constant 0 : i32
      %dma_wait3A_24 = tpu.memref_slice %arg10[%mul3A_14, %dma_wait3A_23] : memref<10112x128xf32, #tpu.memory_space<vmem_shared>> -> memref<632x128xf32, #tpu.memory_space<vmem_shared>>
      tpu.wait_dma2 semaphore(%run_scoped3A : memref<!tpu.dma_semaphore, #tpu.memory_space<semaphore_mem>>) src(%dma_wait3A_24 : memref<632x128xf32, #tpu.memory_space<vmem_shared>>) dst(%dma_wait3A_22 : memref<632x128xf32, #tpu.memory_space<hbm>>)
      tpu.yield
    }) : () -> ()
    return
  }
}

#map = affine_map<(d0, d1) -> (0, 0)>
#map1 = affine_map<(d0, d1) -> (0, 0, 0)>
module attributes {stable_mosaic.version = 14 : i64} {
  func.func @k(%arg0: i32, %arg1: i32, %arg2: memref<10000x128xf32, #tpu.memory_space<hbm>>, %arg3: memref<2560x128xi32, #tpu.memory_space<hbm>>, %arg4: memref<2560x128xi32, #tpu.memory_space<hbm>>, %arg5: memref<632x128xf32, #tpu.memory_space<hbm>>, %arg6: memref<2x10112x128xf32, #tpu.memory_space<hbm>>, %arg7: memref<80x128xi32, #tpu.memory_space<vmem>>, %arg8: memref<80x128xi32, #tpu.memory_space<vmem>>, %arg9: memref<128x128xf32, #tpu.memory_space<vmem>>, %arg10: memref<10112x128xf32, #tpu.memory_space<vmem_shared>>) attributes {dimension_semantics = [#tpu.dimension_semantics<core_parallel>, #tpu.dimension_semantics<subcore_parallel>], iteration_bounds = array<i64: 2, 16>, scalar_prefetch = 0 : i64, scratch_operands = 4 : i64, tpu.core_type = #tpu.core_type<sc_vector_subcore>, window_params = [{transform_indices = #map}, {transform_indices = #map}, {transform_indices = #map}, {transform_indices = #map}, {transform_indices = #map1}]} {
    %mul3A = arith.constant 16 : i32
    %mul3A_0 = arith.muli %arg0, %mul3A : i32
    %add3A = arith.addi %mul3A_0, %arg1 : i32
    %mul3A_1 = arith.constant 632 : i32
    %mul3A_2 = arith.muli %arg1, %mul3A_1 : i32
    "tpu.region"() ({
      %run_scoped3A = tpu.sem_alloc : memref<!tpu.dma_semaphore, #tpu.memory_space<semaphore_mem>>
      %dma_start3A = arith.constant 0 : i32
      %dma_start3A_17 = tpu.memref_slice %arg10[%mul3A_2, %dma_start3A] : memref<10112x128xf32, #tpu.memory_space<vmem_shared>> -> memref<632x128xf32, #tpu.memory_space<vmem_shared>>
      tpu.enqueue_dma source(%arg5 : memref<632x128xf32, #tpu.memory_space<hbm>>) target(%dma_start3A_17 : memref<632x128xf32, #tpu.memory_space<vmem_shared>>) target_semaphore(%run_scoped3A : memref<!tpu.dma_semaphore, #tpu.memory_space<semaphore_mem>>)
      %dma_wait3A = arith.constant 0 : i32
      %dma_wait3A_18 = tpu.memref_slice %arg10[%mul3A_2, %dma_wait3A] : memref<10112x128xf32, #tpu.memory_space<vmem_shared>> -> memref<632x128xf32, #tpu.memory_space<vmem_shared>>
      tpu.wait_dma2 semaphore(%run_scoped3A : memref<!tpu.dma_semaphore, #tpu.memory_space<semaphore_mem>>) src(%arg5 : memref<632x128xf32, #tpu.memory_space<hbm>>) dst(%dma_wait3A_18 : memref<632x128xf32, #tpu.memory_space<vmem_shared>>)
      tpu.yield
    }) : () -> ()
    %mul3A_3 = arith.constant 80 : i32
    %mul3A_4 = arith.muli %add3A, %mul3A_3 : i32
    "tpu.region"() ({
      %run_scoped3A = tpu.sem_alloc : memref<!tpu.dma_semaphore, #tpu.memory_space<semaphore_mem>>
      %dma_start3A = arith.constant 0 : i32
      %dma_start3A_17 = tpu.memref_slice %arg3[%mul3A_4, %dma_start3A] : memref<2560x128xi32, #tpu.memory_space<hbm>> -> memref<80x128xi32, #tpu.memory_space<hbm>>
      %dma_start3A_18 = arith.constant 0 : i32
      %dma_start3A_19 = tpu.memref_slice %arg3[%mul3A_4, %dma_start3A_18] : memref<2560x128xi32, #tpu.memory_space<hbm>> -> memref<80x128xi32, #tpu.memory_space<hbm>>
      tpu.enqueue_dma source(%dma_start3A_19 : memref<80x128xi32, #tpu.memory_space<hbm>>) target(%arg7 : memref<80x128xi32, #tpu.memory_space<vmem>>) target_semaphore(%run_scoped3A : memref<!tpu.dma_semaphore, #tpu.memory_space<semaphore_mem>>)
      %dma_wait3A = arith.constant 0 : i32
      %dma_wait3A_20 = tpu.memref_slice %arg3[%mul3A_4, %dma_wait3A] : memref<2560x128xi32, #tpu.memory_space<hbm>> -> memref<80x128xi32, #tpu.memory_space<hbm>>
      %dma_wait3A_21 = arith.constant 0 : i32
      %dma_wait3A_22 = tpu.memref_slice %arg3[%mul3A_4, %dma_wait3A_21] : memref<2560x128xi32, #tpu.memory_space<hbm>> -> memref<80x128xi32, #tpu.memory_space<hbm>>
      tpu.wait_dma2 semaphore(%run_scoped3A : memref<!tpu.dma_semaphore, #tpu.memory_space<semaphore_mem>>) src(%dma_wait3A_22 : memref<80x128xi32, #tpu.memory_space<hbm>>) dst(%arg7 : memref<80x128xi32, #tpu.memory_space<vmem>>)
      tpu.yield
    }) : () -> ()
    %mul3A_5 = arith.constant 80 : i32
    %mul3A_6 = arith.muli %add3A, %mul3A_5 : i32
    "tpu.region"() ({
      %run_scoped3A = tpu.sem_alloc : memref<!tpu.dma_semaphore, #tpu.memory_space<semaphore_mem>>
      %dma_start3A = arith.constant 0 : i32
      %dma_start3A_17 = tpu.memref_slice %arg4[%mul3A_6, %dma_start3A] : memref<2560x128xi32, #tpu.memory_space<hbm>> -> memref<80x128xi32, #tpu.memory_space<hbm>>
      %dma_start3A_18 = arith.constant 0 : i32
      %dma_start3A_19 = tpu.memref_slice %arg4[%mul3A_6, %dma_start3A_18] : memref<2560x128xi32, #tpu.memory_space<hbm>> -> memref<80x128xi32, #tpu.memory_space<hbm>>
      tpu.enqueue_dma source(%dma_start3A_19 : memref<80x128xi32, #tpu.memory_space<hbm>>) target(%arg8 : memref<80x128xi32, #tpu.memory_space<vmem>>) target_semaphore(%run_scoped3A : memref<!tpu.dma_semaphore, #tpu.memory_space<semaphore_mem>>)
      %dma_wait3A = arith.constant 0 : i32
      %dma_wait3A_20 = tpu.memref_slice %arg4[%mul3A_6, %dma_wait3A] : memref<2560x128xi32, #tpu.memory_space<hbm>> -> memref<80x128xi32, #tpu.memory_space<hbm>>
      %dma_wait3A_21 = arith.constant 0 : i32
      %dma_wait3A_22 = tpu.memref_slice %arg4[%mul3A_6, %dma_wait3A_21] : memref<2560x128xi32, #tpu.memory_space<hbm>> -> memref<80x128xi32, #tpu.memory_space<hbm>>
      tpu.wait_dma2 semaphore(%run_scoped3A : memref<!tpu.dma_semaphore, #tpu.memory_space<semaphore_mem>>) src(%dma_wait3A_22 : memref<80x128xi32, #tpu.memory_space<hbm>>) dst(%arg8 : memref<80x128xi32, #tpu.memory_space<vmem>>)
      tpu.yield
    }) : () -> ()
    %barrier3A = arith.constant 0 : index
    tpu.barrier barrier_id(%barrier3A)
    %scan3A = arith.constant 0 : i32
    %scan3A_7 = arith.constant 0 : i32
    %scan3A_8 = arith.constant 80 : i32
    %scan3A_9 = arith.addi %scan3A_7, %scan3A_8 : i32
    %scan3A_10 = arith.constant 1 : i32
    scf.for %scan3A_17 = %scan3A_7 to %scan3A_9 step %scan3A_10  : i32 {
      "tpu.region"() ({
        %run_scoped3A = tpu.sem_alloc : memref<!tpu.dma_semaphore, #tpu.memory_space<semaphore_mem>>
        %dma_start3A = arith.constant 0 : i32
        %dma_start3A_18 = tpu.memref_slice %arg7[%scan3A_17, %dma_start3A] : memref<80x128xi32, #tpu.memory_space<vmem>> -> memref<1x128xi32, #tpu.memory_space<vmem>>
        %dma_start3A_19 = tpu.memref_squeeze %dma_start3A_18 : memref<1x128xi32, #tpu.memory_space<vmem>> -> memref<128xi32, #tpu.memory_space<vmem>>
        %dma_start3A_20 = arith.constant 0 : i32
        %dma_start3A_21 = arith.constant 0 : i32
        %dma_start3A_22 = tpu.memref_slice %arg2[%dma_start3A_20, %dma_start3A_21] : memref<10000x128xf32, #tpu.memory_space<hbm>> -> memref<10000x128xf32, #tpu.memory_space<hbm>>
        tpu.enqueue_indirect_dma source(%dma_start3A_22 : memref<10000x128xf32, #tpu.memory_space<hbm>>) target(%arg9 : memref<128x128xf32, #tpu.memory_space<vmem>>) offsets(%dma_start3A_19 : memref<128xi32, #tpu.memory_space<vmem>>) semaphore(%run_scoped3A : memref<!tpu.dma_semaphore, #tpu.memory_space<semaphore_mem>>)
        %dma_wait3A = arith.constant 0 : i32
        %dma_wait3A_23 = tpu.memref_slice %arg7[%scan3A_17, %dma_wait3A] : memref<80x128xi32, #tpu.memory_space<vmem>> -> memref<1x128xi32, #tpu.memory_space<vmem>>
        %dma_wait3A_24 = tpu.memref_squeeze %dma_wait3A_23 : memref<1x128xi32, #tpu.memory_space<vmem>> -> memref<128xi32, #tpu.memory_space<vmem>>
        %dma_wait3A_25 = arith.constant 0 : i32
        %dma_wait3A_26 = arith.constant 0 : i32
        %dma_wait3A_27 = tpu.memref_slice %arg2[%dma_wait3A_25, %dma_wait3A_26] : memref<10000x128xf32, #tpu.memory_space<hbm>> -> memref<10000x128xf32, #tpu.memory_space<hbm>>
        tpu.wait_indirect_dma semaphore(%run_scoped3A : memref<!tpu.dma_semaphore, #tpu.memory_space<semaphore_mem>>) src(%dma_wait3A_27 : memref<10000x128xf32, #tpu.memory_space<hbm>>) dst(%arg9 : memref<128x128xf32, #tpu.memory_space<vmem>>)
        tpu.yield
      }) : () -> ()
      "tpu.region"() ({
        %run_scoped3A = tpu.sem_alloc : memref<!tpu.dma_semaphore, #tpu.memory_space<semaphore_mem>>
        %dma_start3A = arith.constant 0 : i32
        %dma_start3A_18 = tpu.memref_slice %arg8[%scan3A_17, %dma_start3A] : memref<80x128xi32, #tpu.memory_space<vmem>> -> memref<1x128xi32, #tpu.memory_space<vmem>>
        %dma_start3A_19 = tpu.memref_squeeze %dma_start3A_18 : memref<1x128xi32, #tpu.memory_space<vmem>> -> memref<128xi32, #tpu.memory_space<vmem>>
        %dma_start3A_20 = arith.constant 0 : i32
        %dma_start3A_21 = arith.constant 0 : i32
        %dma_start3A_22 = tpu.memref_slice %arg10[%dma_start3A_20, %dma_start3A_21] : memref<10112x128xf32, #tpu.memory_space<vmem_shared>> -> memref<10112x128xf32, #tpu.memory_space<vmem_shared>>
        tpu.enqueue_indirect_dma source(%arg9 : memref<128x128xf32, #tpu.memory_space<vmem>>) target(%dma_start3A_22 : memref<10112x128xf32, #tpu.memory_space<vmem_shared>>) offsets(%dma_start3A_19 : memref<128xi32, #tpu.memory_space<vmem>>) semaphore(%run_scoped3A : memref<!tpu.dma_semaphore, #tpu.memory_space<semaphore_mem>>) {add = true}
        %dma_wait3A = arith.constant 0 : i32
        %dma_wait3A_23 = tpu.memref_slice %arg8[%scan3A_17, %dma_wait3A] : memref<80x128xi32, #tpu.memory_space<vmem>> -> memref<1x128xi32, #tpu.memory_space<vmem>>
        %dma_wait3A_24 = tpu.memref_squeeze %dma_wait3A_23 : memref<1x128xi32, #tpu.memory_space<vmem>> -> memref<128xi32, #tpu.memory_space<vmem>>
        %dma_wait3A_25 = arith.constant 0 : i32
        %dma_wait3A_26 = arith.constant 0 : i32
        %dma_wait3A_27 = tpu.memref_slice %arg10[%dma_wait3A_25, %dma_wait3A_26] : memref<10112x128xf32, #tpu.memory_space<vmem_shared>> -> memref<10112x128xf32, #tpu.memory_space<vmem_shared>>
        tpu.wait_indirect_dma semaphore(%run_scoped3A : memref<!tpu.dma_semaphore, #tpu.memory_space<semaphore_mem>>) src(%arg9 : memref<128x128xf32, #tpu.memory_space<vmem>>) dst(%dma_wait3A_27 : memref<10112x128xf32, #tpu.memory_space<vmem_shared>>)
        tpu.yield
      }) : () -> ()
    }
    %scan3A_11 = arith.constant 80 : i32
    %barrier3A_12 = arith.constant 0 : index
    tpu.barrier barrier_id(%barrier3A_12)
    %mul3A_13 = arith.constant 632 : i32
    %mul3A_14 = arith.muli %arg1, %mul3A_13 : i32
    %mul3A_15 = arith.constant 632 : i32
    %mul3A_16 = arith.muli %arg1, %mul3A_15 : i32
    "tpu.region"() ({
      %run_scoped3A = tpu.sem_alloc : memref<!tpu.dma_semaphore, #tpu.memory_space<semaphore_mem>>
      %dma_start3A = arith.constant 0 : i32
      %dma_start3A_17 = tpu.memref_slice %arg6[%arg0, %mul3A_16, %dma_start3A] : memref<2x10112x128xf32, #tpu.memory_space<hbm>> -> memref<1x632x128xf32, #tpu.memory_space<hbm>>
      %dma_start3A_18 = tpu.memref_squeeze %dma_start3A_17 : memref<1x632x128xf32, #tpu.memory_space<hbm>> -> memref<632x128xf32, #tpu.memory_space<hbm>>
      %dma_start3A_19 = arith.constant 0 : i32
      %dma_start3A_20 = tpu.memref_slice %arg10[%mul3A_14, %dma_start3A_19] : memref<10112x128xf32, #tpu.memory_space<vmem_shared>> -> memref<632x128xf32, #tpu.memory_space<vmem_shared>>
      tpu.enqueue_dma source(%dma_start3A_20 : memref<632x128xf32, #tpu.memory_space<vmem_shared>>) target(%dma_start3A_18 : memref<632x128xf32, #tpu.memory_space<hbm>>) target_semaphore(%run_scoped3A : memref<!tpu.dma_semaphore, #tpu.memory_space<semaphore_mem>>)
      %dma_wait3A = arith.constant 0 : i32
      %dma_wait3A_21 = tpu.memref_slice %arg6[%arg0, %mul3A_16, %dma_wait3A] : memref<2x10112x128xf32, #tpu.memory_space<hbm>> -> memref<1x632x128xf32, #tpu.memory_space<hbm>>
      %dma_wait3A_22 = tpu.memref_squeeze %dma_wait3A_21 : memref<1x632x128xf32, #tpu.memory_space<hbm>> -> memref<632x128xf32, #tpu.memory_space<hbm>>
      %dma_wait3A_23 = arith.constant 0 : i32
      %dma_wait3A_24 = tpu.memref_slice %arg10[%mul3A_14, %dma_wait3A_23] : memref<10112x128xf32, #tpu.memory_space<vmem_shared>> -> memref<632x128xf32, #tpu.memory_space<vmem_shared>>
      tpu.wait_dma2 semaphore(%run_scoped3A : memref<!tpu.dma_semaphore, #tpu.memory_space<semaphore_mem>>) src(%dma_wait3A_24 : memref<632x128xf32, #tpu.memory_space<vmem_shared>>) dst(%dma_wait3A_22 : memref<632x128xf32, #tpu.memory_space<hbm>>)
      tpu.yield
    }) : () -> ()
    return
  }
}

module attributes {stable_mosaic.version = 14 : i64} {
  func.func @body(%arg0: memref<10000x128xf32, #tpu.memory_space<vmem>>, %arg1: memref<2x10112x16xf32, #tpu.memory_space<vmem>>, %arg2: memref<128x128xf32, #tpu.memory_space<vmem>>, %arg3: memref<10000x128xf32, #tpu.memory_space<vmem>>, %arg4: memref<10000x128xf32, #tpu.memory_space<vmem>>) attributes {dimension_semantics = [], scalar_prefetch = 0 : i64, scratch_operands = 0 : i64, tpu.core_type = #tpu.core_type<tc>} {
    %get3A = arith.constant 0 : index
    %get3A_0 = arith.constant 0 : index
    %get3A_1 = arith.constant 0 : index
    %get3A_2 = vector.load %arg1[%get3A, %get3A_0, %get3A_1] : memref<2x10112x16xf32, #tpu.memory_space<vmem>>, vector<1x10000x1xf32>
    %get3A_3 = vector.shape_cast %get3A_2 : vector<1x10000x1xf32> to vector<10000x1xf32>
    %get3A_4 = arith.constant 1 : index
    %get3A_5 = arith.constant 0 : index
    %get3A_6 = arith.constant 0 : index
    %get3A_7 = vector.load %arg1[%get3A_4, %get3A_5, %get3A_6] : memref<2x10112x16xf32, #tpu.memory_space<vmem>>, vector<1x10000x1xf32>
    %get3A_8 = vector.shape_cast %get3A_7 : vector<1x10000x1xf32> to vector<10000x1xf32>
    %add3A = arith.addf %get3A_3, %get3A_8 : vector<10000x1xf32>
    %add3A_9 = arith.constant 1.000000e+00 : f32
    %add3A_10 = vector.broadcast %add3A_9 : f32 to vector<10000x1xf32>
    %add3A_11 = arith.addf %add3A, %add3A_10 : vector<10000x1xf32>
    %rsqrt3A = math.rsqrt %add3A_11 : vector<10000x1xf32>
    %broadcast_in_dim3A = vector.shape_cast %rsqrt3A : vector<10000x1xf32> to vector<10000x1xf32>
    %broadcast_in_dim3A_12 = vector.broadcast %broadcast_in_dim3A : vector<10000x1xf32> to vector<10000x128xf32>
    %swap3A = arith.constant 0 : index
    %swap3A_13 = arith.constant 0 : index
    %swap3A_14 = vector.load %arg3[%swap3A, %swap3A_13] : memref<10000x128xf32, #tpu.memory_space<vmem>>, vector<10000x128xf32>
    tpu.vector_store %arg3[%swap3A, %swap3A_13], %broadcast_in_dim3A_12 {strides = array<i32>} : memref<10000x128xf32, #tpu.memory_space<vmem>>, vector<10000x128xf32>,
    %get3A_15 = arith.constant 0 : index
    %get3A_16 = arith.constant 0 : index
    %get3A_17 = vector.load %arg0[%get3A_15, %get3A_16] : memref<10000x128xf32, #tpu.memory_space<vmem>>, vector<10000x128xf32>
    %get3A_18 = arith.constant 0 : index
    %get3A_19 = arith.constant 0 : index
    %get3A_20 = vector.load %arg2[%get3A_18, %get3A_19] : memref<128x128xf32, #tpu.memory_space<vmem>>, vector<128x128xf32>
    %dot_general3A = arith.constant dense<0.000000e+00> : vector<10000x128xf32>
    %dot_general3A_21 = tpu.matmul %get3A_17, %get3A_20, %dot_general3A {dimension_numbers = #tpu.dot_dimension_numbers<[1], [0], [0], [1], [0, 0, 1, 1], [], []>, transpose_lhs_hint = false} : vector<10000x128xf32>, vector<128x128xf32>, vector<10000x128xf32> -> vector<10000x128xf32>
    %mul3A = arith.mulf %dot_general3A_21, %broadcast_in_dim3A_12 : vector<10000x128xf32>
    %swap3A_22 = arith.constant 0 : index
    %swap3A_23 = arith.constant 0 : index
    %swap3A_24 = vector.load %arg4[%swap3A_22, %swap3A_23] : memref<10000x128xf32, #tpu.memory_space<vmem>>, vector<10000x128xf32>
    tpu.vector_store %arg4[%swap3A_22, %swap3A_23], %mul3A {strides = array<i32>} : memref<10000x128xf32, #tpu.memory_space<vmem>>, vector<10000x128xf32>,
    return
  }
}

module attributes {stable_mosaic.version = 14 : i64} {
  func.func @body(%arg0: memref<2x10112x128xf32, #tpu.memory_space<vmem>>, %arg1: memref<10000x128xf32, #tpu.memory_space<vmem>>, %arg2: memref<10000x128xf32, #tpu.memory_space<vmem>>, %arg3: memref<1x128xf32, #tpu.memory_space<vmem>>, %arg4: memref<1x128xf32, #tpu.memory_space<vmem>>, %arg5: memref<1x128xf32, #tpu.memory_space<vmem>>, %arg6: memref<128x128xf32, #tpu.memory_space<vmem>>, %arg7: memref<10000x128xf32, #tpu.memory_space<vmem>>, %arg8: memref<10000x128xf32, #tpu.memory_space<vmem>>) attributes {dimension_semantics = [], scalar_prefetch = 0 : i64, scratch_operands = 0 : i64, tpu.core_type = #tpu.core_type<tc>} {
    %get3A = arith.constant 0 : index
    %get3A_0 = arith.constant 0 : index
    %get3A_1 = vector.load %arg2[%get3A, %get3A_0] : memref<10000x128xf32, #tpu.memory_space<vmem>>, vector<10000x128xf32>
    %get3A_2 = arith.constant 0 : index
    %get3A_3 = arith.constant 0 : index
    %get3A_4 = arith.constant 0 : index
    %get3A_5 = vector.load %arg0[%get3A_2, %get3A_3, %get3A_4] : memref<2x10112x128xf32, #tpu.memory_space<vmem>>, vector<1x10000x128xf32>
    %get3A_6 = vector.shape_cast %get3A_5 : vector<1x10000x128xf32> to vector<10000x128xf32>
    %get3A_7 = arith.constant 1 : index
    %get3A_8 = arith.constant 0 : index
    %get3A_9 = arith.constant 0 : index
    %get3A_10 = vector.load %arg0[%get3A_7, %get3A_8, %get3A_9] : memref<2x10112x128xf32, #tpu.memory_space<vmem>>, vector<1x10000x128xf32>
    %get3A_11 = vector.shape_cast %get3A_10 : vector<1x10000x128xf32> to vector<10000x128xf32>
    %add3A = arith.addf %get3A_6, %get3A_11 : vector<10000x128xf32>
    %get3A_12 = arith.constant 0 : index
    %get3A_13 = arith.constant 0 : index
    %get3A_14 = vector.load %arg1[%get3A_12, %get3A_13] : memref<10000x128xf32, #tpu.memory_space<vmem>>, vector<10000x128xf32>
    %add3A_15 = arith.addf %add3A, %get3A_14 : vector<10000x128xf32>
    %mul3A = arith.mulf %add3A_15, %get3A_1 : vector<10000x128xf32>
    %get3A_16 = arith.constant 0 : index
    %get3A_17 = arith.constant 0 : index
    %get3A_18 = vector.load %arg3[%get3A_16, %get3A_17] : memref<1x128xf32, #tpu.memory_space<vmem>>, vector<1x128xf32>
    %add3A_19 = vector.broadcast %get3A_18 : vector<1x128xf32> to vector<10000x128xf32>
    %add3A_20 = arith.addf %mul3A, %add3A_19 : vector<10000x128xf32>
    %reduce_sum3A = arith.constant dense<0.000000e+00> : vector<128xf32>
    %reduce_sum3A_21 = vector.multi_reduction <add>, %add3A_20, %reduce_sum3A [0] : vector<10000x128xf32> to vector<128xf32>
    %broadcast_in_dim3A = vector.shape_cast %reduce_sum3A_21 : vector<128xf32> to vector<1x128xf32>
    %div3A = arith.constant 1.000000e+04 : f32
    %div3A_22 = vector.broadcast %div3A : f32 to vector<1x128xf32>
    %div3A_23 = arith.divf %broadcast_in_dim3A, %div3A_22 : vector<1x128xf32>
    %sub3A = vector.broadcast %div3A_23 : vector<1x128xf32> to vector<10000x128xf32>
    %sub3A_24 = arith.subf %add3A_20, %sub3A : vector<10000x128xf32>
    %integer_pow3A = arith.mulf %sub3A_24, %sub3A_24 : vector<10000x128xf32>
    %reduce_sum3A_25 = arith.constant dense<0.000000e+00> : vector<128xf32>
    %reduce_sum3A_26 = vector.multi_reduction <add>, %integer_pow3A, %reduce_sum3A_25 [0] : vector<10000x128xf32> to vector<128xf32>
    %broadcast_in_dim3A_27 = vector.shape_cast %reduce_sum3A_26 : vector<128xf32> to vector<1x128xf32>
    %div3A_28 = arith.constant 1.000000e+04 : f32
    %div3A_29 = vector.broadcast %div3A_28 : f32 to vector<1x128xf32>
    %div3A_30 = arith.divf %broadcast_in_dim3A_27, %div3A_29 : vector<1x128xf32>
    %sub3A_31 = vector.broadcast %div3A_23 : vector<1x128xf32> to vector<10000x128xf32>
    %sub3A_32 = arith.subf %add3A_20, %sub3A_31 : vector<10000x128xf32>
    %add3A_33 = arith.constant 9.99999974E-6 : f32
    %add3A_34 = vector.broadcast %add3A_33 : f32 to vector<1x128xf32>
    %add3A_35 = arith.addf %div3A_30, %add3A_34 : vector<1x128xf32>
    %rsqrt3A = math.rsqrt %add3A_35 : vector<1x128xf32>
    %mul3A_36 = vector.broadcast %rsqrt3A : vector<1x128xf32> to vector<10000x128xf32>
    %mul3A_37 = arith.mulf %sub3A_32, %mul3A_36 : vector<10000x128xf32>
    %get3A_38 = arith.constant 0 : index
    %get3A_39 = arith.constant 0 : index
    %get3A_40 = vector.load %arg4[%get3A_38, %get3A_39] : memref<1x128xf32, #tpu.memory_space<vmem>>, vector<1x128xf32>
    %mul3A_41 = vector.broadcast %get3A_40 : vector<1x128xf32> to vector<10000x128xf32>
    %mul3A_42 = arith.mulf %mul3A_37, %mul3A_41 : vector<10000x128xf32>
    %get3A_43 = arith.constant 0 : index
    %get3A_44 = arith.constant 0 : index
    %get3A_45 = vector.load %arg5[%get3A_43, %get3A_44] : memref<1x128xf32, #tpu.memory_space<vmem>>, vector<1x128xf32>
    %add3A_46 = vector.broadcast %get3A_45 : vector<1x128xf32> to vector<10000x128xf32>
    %add3A_47 = arith.addf %mul3A_42, %add3A_46 : vector<10000x128xf32>
    %max3A = arith.constant 0.000000e+00 : f32
    %max3A_48 = vector.broadcast %max3A : f32 to vector<10000x128xf32>
    %max3A_49 = arith.maximumf %add3A_47, %max3A_48 : vector<10000x128xf32>
    %swap3A = arith.constant 0 : index
    %swap3A_50 = arith.constant 0 : index
    %swap3A_51 = vector.load %arg7[%swap3A, %swap3A_50] : memref<10000x128xf32, #tpu.memory_space<vmem>>, vector<10000x128xf32>
    tpu.vector_store %arg7[%swap3A, %swap3A_50], %max3A_49 {strides = array<i32>} : memref<10000x128xf32, #tpu.memory_space<vmem>>, vector<10000x128xf32>,
    %get3A_52 = arith.constant 0 : index
    %get3A_53 = arith.constant 0 : index
    %get3A_54 = vector.load %arg6[%get3A_52, %get3A_53] : memref<128x128xf32, #tpu.memory_space<vmem>>, vector<128x128xf32>
    %dot_general3A = arith.constant dense<0.000000e+00> : vector<10000x128xf32>
    %dot_general3A_55 = tpu.matmul %max3A_49, %get3A_54, %dot_general3A {dimension_numbers = #tpu.dot_dimension_numbers<[1], [0], [0], [1], [0, 0, 1, 1], [], []>, transpose_lhs_hint = false} : vector<10000x128xf32>, vector<128x128xf32>, vector<10000x128xf32> -> vector<10000x128xf32>
    %mul3A_56 = arith.mulf %dot_general3A_55, %get3A_1 : vector<10000x128xf32>
    %swap3A_57 = arith.constant 0 : index
    %swap3A_58 = arith.constant 0 : index
    %swap3A_59 = vector.load %arg8[%swap3A_57, %swap3A_58] : memref<10000x128xf32, #tpu.memory_space<vmem>>, vector<10000x128xf32>
    tpu.vector_store %arg8[%swap3A_57, %swap3A_58], %mul3A_56 {strides = array<i32>} : memref<10000x128xf32, #tpu.memory_space<vmem>>, vector<10000x128xf32>,
    return
  }
}

module attributes {stable_mosaic.version = 14 : i64} {
  func.func @body(%arg0: memref<10000x128xf32, #tpu.memory_space<vmem>>, %arg1: memref<2x10112x128xf32, #tpu.memory_space<vmem>>, %arg2: memref<10000x128xf32, #tpu.memory_space<vmem>>, %arg3: memref<10000x128xf32, #tpu.memory_space<vmem>>, %arg4: memref<1x128xf32, #tpu.memory_space<vmem>>, %arg5: memref<1x128xf32, #tpu.memory_space<vmem>>, %arg6: memref<1x128xf32, #tpu.memory_space<vmem>>, %arg7: memref<128x128xf32, #tpu.memory_space<vmem>>, %arg8: memref<10000x128xf32, #tpu.memory_space<vmem>>, %arg9: memref<10000x128xf32, #tpu.memory_space<vmem>>) attributes {dimension_semantics = [], scalar_prefetch = 0 : i64, scratch_operands = 0 : i64, tpu.core_type = #tpu.core_type<tc>} {
    %get3A = arith.constant 0 : index
    %get3A_0 = arith.constant 0 : index
    %get3A_1 = vector.load %arg3[%get3A, %get3A_0] : memref<10000x128xf32, #tpu.memory_space<vmem>>, vector<10000x128xf32>
    %get3A_2 = arith.constant 0 : index
    %get3A_3 = arith.constant 0 : index
    %get3A_4 = arith.constant 0 : index
    %get3A_5 = vector.load %arg1[%get3A_2, %get3A_3, %get3A_4] : memref<2x10112x128xf32, #tpu.memory_space<vmem>>, vector<1x10000x128xf32>
    %get3A_6 = vector.shape_cast %get3A_5 : vector<1x10000x128xf32> to vector<10000x128xf32>
    %get3A_7 = arith.constant 1 : index
    %get3A_8 = arith.constant 0 : index
    %get3A_9 = arith.constant 0 : index
    %get3A_10 = vector.load %arg1[%get3A_7, %get3A_8, %get3A_9] : memref<2x10112x128xf32, #tpu.memory_space<vmem>>, vector<1x10000x128xf32>
    %get3A_11 = vector.shape_cast %get3A_10 : vector<1x10000x128xf32> to vector<10000x128xf32>
    %add3A = arith.addf %get3A_6, %get3A_11 : vector<10000x128xf32>
    %get3A_12 = arith.constant 0 : index
    %get3A_13 = arith.constant 0 : index
    %get3A_14 = vector.load %arg2[%get3A_12, %get3A_13] : memref<10000x128xf32, #tpu.memory_space<vmem>>, vector<10000x128xf32>
    %add3A_15 = arith.addf %add3A, %get3A_14 : vector<10000x128xf32>
    %mul3A = arith.mulf %add3A_15, %get3A_1 : vector<10000x128xf32>
    %get3A_16 = arith.constant 0 : index
    %get3A_17 = arith.constant 0 : index
    %get3A_18 = vector.load %arg4[%get3A_16, %get3A_17] : memref<1x128xf32, #tpu.memory_space<vmem>>, vector<1x128xf32>
    %add3A_19 = vector.broadcast %get3A_18 : vector<1x128xf32> to vector<10000x128xf32>
    %add3A_20 = arith.addf %mul3A, %add3A_19 : vector<10000x128xf32>
    %reduce_sum3A = arith.constant dense<0.000000e+00> : vector<128xf32>
    %reduce_sum3A_21 = vector.multi_reduction <add>, %add3A_20, %reduce_sum3A [0] : vector<10000x128xf32> to vector<128xf32>
    %broadcast_in_dim3A = vector.shape_cast %reduce_sum3A_21 : vector<128xf32> to vector<1x128xf32>
    %div3A = arith.constant 1.000000e+04 : f32
    %div3A_22 = vector.broadcast %div3A : f32 to vector<1x128xf32>
    %div3A_23 = arith.divf %broadcast_in_dim3A, %div3A_22 : vector<1x128xf32>
    %sub3A = vector.broadcast %div3A_23 : vector<1x128xf32> to vector<10000x128xf32>
    %sub3A_24 = arith.subf %add3A_20, %sub3A : vector<10000x128xf32>
    %integer_pow3A = arith.mulf %sub3A_24, %sub3A_24 : vector<10000x128xf32>
    %reduce_sum3A_25 = arith.constant dense<0.000000e+00> : vector<128xf32>
    %reduce_sum3A_26 = vector.multi_reduction <add>, %integer_pow3A, %reduce_sum3A_25 [0] : vector<10000x128xf32> to vector<128xf32>
    %broadcast_in_dim3A_27 = vector.shape_cast %reduce_sum3A_26 : vector<128xf32> to vector<1x128xf32>
    %div3A_28 = arith.constant 1.000000e+04 : f32
    %div3A_29 = vector.broadcast %div3A_28 : f32 to vector<1x128xf32>
    %div3A_30 = arith.divf %broadcast_in_dim3A_27, %div3A_29 : vector<1x128xf32>
    %sub3A_31 = vector.broadcast %div3A_23 : vector<1x128xf32> to vector<10000x128xf32>
    %sub3A_32 = arith.subf %add3A_20, %sub3A_31 : vector<10000x128xf32>
    %add3A_33 = arith.constant 9.99999974E-6 : f32
    %add3A_34 = vector.broadcast %add3A_33 : f32 to vector<1x128xf32>
    %add3A_35 = arith.addf %div3A_30, %add3A_34 : vector<1x128xf32>
    %rsqrt3A = math.rsqrt %add3A_35 : vector<1x128xf32>
    %mul3A_36 = vector.broadcast %rsqrt3A : vector<1x128xf32> to vector<10000x128xf32>
    %mul3A_37 = arith.mulf %sub3A_32, %mul3A_36 : vector<10000x128xf32>
    %get3A_38 = arith.constant 0 : index
    %get3A_39 = arith.constant 0 : index
    %get3A_40 = vector.load %arg5[%get3A_38, %get3A_39] : memref<1x128xf32, #tpu.memory_space<vmem>>, vector<1x128xf32>
    %mul3A_41 = vector.broadcast %get3A_40 : vector<1x128xf32> to vector<10000x128xf32>
    %mul3A_42 = arith.mulf %mul3A_37, %mul3A_41 : vector<10000x128xf32>
    %get3A_43 = arith.constant 0 : index
    %get3A_44 = arith.constant 0 : index
    %get3A_45 = vector.load %arg6[%get3A_43, %get3A_44] : memref<1x128xf32, #tpu.memory_space<vmem>>, vector<1x128xf32>
    %add3A_46 = vector.broadcast %get3A_45 : vector<1x128xf32> to vector<10000x128xf32>
    %add3A_47 = arith.addf %mul3A_42, %add3A_46 : vector<10000x128xf32>
    %max3A = arith.constant 0.000000e+00 : f32
    %max3A_48 = vector.broadcast %max3A : f32 to vector<10000x128xf32>
    %max3A_49 = arith.maximumf %add3A_47, %max3A_48 : vector<10000x128xf32>
    %get3A_50 = arith.constant 0 : index
    %get3A_51 = arith.constant 0 : index
    %get3A_52 = vector.load %arg0[%get3A_50, %get3A_51] : memref<10000x128xf32, #tpu.memory_space<vmem>>, vector<10000x128xf32>
    %add3A_53 = arith.addf %get3A_52, %max3A_49 : vector<10000x128xf32>
    %swap3A = arith.constant 0 : index
    %swap3A_54 = arith.constant 0 : index
    %swap3A_55 = vector.load %arg8[%swap3A, %swap3A_54] : memref<10000x128xf32, #tpu.memory_space<vmem>>, vector<10000x128xf32>
    tpu.vector_store %arg8[%swap3A, %swap3A_54], %add3A_53 {strides = array<i32>} : memref<10000x128xf32, #tpu.memory_space<vmem>>, vector<10000x128xf32>,
    %get3A_56 = arith.constant 0 : index
    %get3A_57 = arith.constant 0 : index
    %get3A_58 = vector.load %arg7[%get3A_56, %get3A_57] : memref<128x128xf32, #tpu.memory_space<vmem>>, vector<128x128xf32>
    %dot_general3A = arith.constant dense<0.000000e+00> : vector<10000x128xf32>
    %dot_general3A_59 = tpu.matmul %add3A_53, %get3A_58, %dot_general3A {dimension_numbers = #tpu.dot_dimension_numbers<[1], [0], [0], [1], [0, 0, 1, 1], [], []>, transpose_lhs_hint = false} : vector<10000x128xf32>, vector<128x128xf32>, vector<10000x128xf32> -> vector<10000x128xf32>
    %mul3A_60 = arith.mulf %dot_general3A_59, %get3A_1 : vector<10000x128xf32>
    %swap3A_61 = arith.constant 0 : index
    %swap3A_62 = arith.constant 0 : index
    %swap3A_63 = vector.load %arg9[%swap3A_61, %swap3A_62] : memref<10000x128xf32, #tpu.memory_space<vmem>>, vector<10000x128xf32>
    tpu.vector_store %arg9[%swap3A_61, %swap3A_62], %mul3A_60 {strides = array<i32>} : memref<10000x128xf32, #tpu.memory_space<vmem>>, vector<10000x128xf32>,
    return
  }
}

module attributes {stable_mosaic.version = 14 : i64} {
  func.func @body(%arg0: memref<10000x128xf32, #tpu.memory_space<vmem>>, %arg1: memref<2x10112x128xf32, #tpu.memory_space<vmem>>, %arg2: memref<10000x128xf32, #tpu.memory_space<vmem>>, %arg3: memref<10000x128xf32, #tpu.memory_space<vmem>>, %arg4: memref<1x128xf32, #tpu.memory_space<vmem>>, %arg5: memref<1x128xf32, #tpu.memory_space<vmem>>, %arg6: memref<1x128xf32, #tpu.memory_space<vmem>>, %arg7: memref<10000x128xf32, #tpu.memory_space<vmem>>) attributes {dimension_semantics = [], scalar_prefetch = 0 : i64, scratch_operands = 0 : i64, tpu.core_type = #tpu.core_type<tc>} {
    %get3A = arith.constant 0 : index
    %get3A_0 = arith.constant 0 : index
    %get3A_1 = vector.load %arg3[%get3A, %get3A_0] : memref<10000x128xf32, #tpu.memory_space<vmem>>, vector<10000x128xf32>
    %get3A_2 = arith.constant 0 : index
    %get3A_3 = arith.constant 0 : index
    %get3A_4 = arith.constant 0 : index
    %get3A_5 = vector.load %arg1[%get3A_2, %get3A_3, %get3A_4] : memref<2x10112x128xf32, #tpu.memory_space<vmem>>, vector<1x10000x128xf32>
    %get3A_6 = vector.shape_cast %get3A_5 : vector<1x10000x128xf32> to vector<10000x128xf32>
    %get3A_7 = arith.constant 1 : index
    %get3A_8 = arith.constant 0 : index
    %get3A_9 = arith.constant 0 : index
    %get3A_10 = vector.load %arg1[%get3A_7, %get3A_8, %get3A_9] : memref<2x10112x128xf32, #tpu.memory_space<vmem>>, vector<1x10000x128xf32>
    %get3A_11 = vector.shape_cast %get3A_10 : vector<1x10000x128xf32> to vector<10000x128xf32>
    %add3A = arith.addf %get3A_6, %get3A_11 : vector<10000x128xf32>
    %get3A_12 = arith.constant 0 : index
    %get3A_13 = arith.constant 0 : index
    %get3A_14 = vector.load %arg2[%get3A_12, %get3A_13] : memref<10000x128xf32, #tpu.memory_space<vmem>>, vector<10000x128xf32>
    %add3A_15 = arith.addf %add3A, %get3A_14 : vector<10000x128xf32>
    %mul3A = arith.mulf %add3A_15, %get3A_1 : vector<10000x128xf32>
    %get3A_16 = arith.constant 0 : index
    %get3A_17 = arith.constant 0 : index
    %get3A_18 = vector.load %arg4[%get3A_16, %get3A_17] : memref<1x128xf32, #tpu.memory_space<vmem>>, vector<1x128xf32>
    %add3A_19 = vector.broadcast %get3A_18 : vector<1x128xf32> to vector<10000x128xf32>
    %add3A_20 = arith.addf %mul3A, %add3A_19 : vector<10000x128xf32>
    %reduce_sum3A = arith.constant dense<0.000000e+00> : vector<128xf32>
    %reduce_sum3A_21 = vector.multi_reduction <add>, %add3A_20, %reduce_sum3A [0] : vector<10000x128xf32> to vector<128xf32>
    %broadcast_in_dim3A = vector.shape_cast %reduce_sum3A_21 : vector<128xf32> to vector<1x128xf32>
    %div3A = arith.constant 1.000000e+04 : f32
    %div3A_22 = vector.broadcast %div3A : f32 to vector<1x128xf32>
    %div3A_23 = arith.divf %broadcast_in_dim3A, %div3A_22 : vector<1x128xf32>
    %sub3A = vector.broadcast %div3A_23 : vector<1x128xf32> to vector<10000x128xf32>
    %sub3A_24 = arith.subf %add3A_20, %sub3A : vector<10000x128xf32>
    %integer_pow3A = arith.mulf %sub3A_24, %sub3A_24 : vector<10000x128xf32>
    %reduce_sum3A_25 = arith.constant dense<0.000000e+00> : vector<128xf32>
    %reduce_sum3A_26 = vector.multi_reduction <add>, %integer_pow3A, %reduce_sum3A_25 [0] : vector<10000x128xf32> to vector<128xf32>
    %broadcast_in_dim3A_27 = vector.shape_cast %reduce_sum3A_26 : vector<128xf32> to vector<1x128xf32>
    %div3A_28 = arith.constant 1.000000e+04 : f32
    %div3A_29 = vector.broadcast %div3A_28 : f32 to vector<1x128xf32>
    %div3A_30 = arith.divf %broadcast_in_dim3A_27, %div3A_29 : vector<1x128xf32>
    %sub3A_31 = vector.broadcast %div3A_23 : vector<1x128xf32> to vector<10000x128xf32>
    %sub3A_32 = arith.subf %add3A_20, %sub3A_31 : vector<10000x128xf32>
    %add3A_33 = arith.constant 9.99999974E-6 : f32
    %add3A_34 = vector.broadcast %add3A_33 : f32 to vector<1x128xf32>
    %add3A_35 = arith.addf %div3A_30, %add3A_34 : vector<1x128xf32>
    %rsqrt3A = math.rsqrt %add3A_35 : vector<1x128xf32>
    %mul3A_36 = vector.broadcast %rsqrt3A : vector<1x128xf32> to vector<10000x128xf32>
    %mul3A_37 = arith.mulf %sub3A_32, %mul3A_36 : vector<10000x128xf32>
    %get3A_38 = arith.constant 0 : index
    %get3A_39 = arith.constant 0 : index
    %get3A_40 = vector.load %arg5[%get3A_38, %get3A_39] : memref<1x128xf32, #tpu.memory_space<vmem>>, vector<1x128xf32>
    %mul3A_41 = vector.broadcast %get3A_40 : vector<1x128xf32> to vector<10000x128xf32>
    %mul3A_42 = arith.mulf %mul3A_37, %mul3A_41 : vector<10000x128xf32>
    %get3A_43 = arith.constant 0 : index
    %get3A_44 = arith.constant 0 : index
    %get3A_45 = vector.load %arg6[%get3A_43, %get3A_44] : memref<1x128xf32, #tpu.memory_space<vmem>>, vector<1x128xf32>
    %add3A_46 = vector.broadcast %get3A_45 : vector<1x128xf32> to vector<10000x128xf32>
    %add3A_47 = arith.addf %mul3A_42, %add3A_46 : vector<10000x128xf32>
    %max3A = arith.constant 0.000000e+00 : f32
    %max3A_48 = vector.broadcast %max3A : f32 to vector<10000x128xf32>
    %max3A_49 = arith.maximumf %add3A_47, %max3A_48 : vector<10000x128xf32>
    %get3A_50 = arith.constant 0 : index
    %get3A_51 = arith.constant 0 : index
    %get3A_52 = vector.load %arg0[%get3A_50, %get3A_51] : memref<10000x128xf32, #tpu.memory_space<vmem>>, vector<10000x128xf32>
    %add3A_53 = arith.addf %get3A_52, %max3A_49 : vector<10000x128xf32>
    %swap3A = arith.constant 0 : index
    %swap3A_54 = arith.constant 0 : index
    %swap3A_55 = vector.load %arg7[%swap3A, %swap3A_54] : memref<10000x128xf32, #tpu.memory_space<vmem>>, vector<10000x128xf32>
    tpu.vector_store %arg7[%swap3A, %swap3A_54], %add3A_53 {strides = array<i32>} : memref<10000x128xf32, #tpu.memory_space<vmem>>, vector<10000x128xf32>,
    return
  }
}

module attributes {stable_mosaic.version = 14 : i64} {
  func.func @body(%arg0: memref<10000x128xf32, #tpu.memory_space<vmem>>, %arg1: memref<10000x1xi32, #tpu.memory_space<vmem>>, %arg2: memref<128x64xf32, #tpu.memory_space<vmem>>, %arg3: memref<1x64xf32, #tpu.memory_space<vmem>>, %arg4: memref<64x1xf32, #tpu.memory_space<vmem>>, %arg5: memref<1x1xf32, #tpu.memory_space<vmem>>, %arg6: memref<64x1xf32, #tpu.memory_space<vmem>>) attributes {dimension_semantics = [], scalar_prefetch = 0 : i64, scratch_operands = 0 : i64, tpu.core_type = #tpu.core_type<tc>} {
    %iota3A = tpu.iota {dimensions = array<i32: 1>} : vector<10000x64xi32>
    %get3A = arith.constant 0 : index
    %get3A_0 = arith.constant 0 : index
    %get3A_1 = vector.load %arg1[%get3A, %get3A_0] : memref<10000x1xi32, #tpu.memory_space<vmem>>, vector<10000x1xi32>
    %eq3A = vector.broadcast %get3A_1 : vector<10000x1xi32> to vector<10000x64xi32>
    %eq3A_2 = arith.cmpi eq, %eq3A, %iota3A : vector<10000x64xi32>
    %convert_element_type3A = arith.extui %eq3A_2 : vector<10000x64xi1> to vector<10000x64xi32>
    %convert_element_type3A_3 = arith.sitofp %convert_element_type3A : vector<10000x64xi32> to vector<10000x64xf32>
    %get3A_4 = arith.constant 0 : index
    %get3A_5 = arith.constant 0 : index
    %get3A_6 = vector.load %arg0[%get3A_4, %get3A_5] : memref<10000x128xf32, #tpu.memory_space<vmem>>, vector<10000x128xf32>
    %dot_general3A = arith.constant dense<0.000000e+00> : vector<64x128xf32>
    %dot_general3A_7 = tpu.matmul %convert_element_type3A_3, %get3A_6, %dot_general3A {dimension_numbers = #tpu.dot_dimension_numbers<[0], [0], [1], [1], [0, 1, 1, 1], [], []>, transpose_lhs_hint = false} : vector<10000x64xf32>, vector<10000x128xf32>, vector<64x128xf32> -> vector<64x128xf32>
    %reduce_sum3A = arith.constant dense<0.000000e+00> : vector<64xf32>
    %reduce_sum3A_8 = vector.multi_reduction <add>, %convert_element_type3A_3, %reduce_sum3A [0] : vector<10000x64xf32> to vector<64xf32>
    %broadcast_in_dim3A = vector.shape_cast %reduce_sum3A_8 : vector<64xf32> to vector<1x64xf32>
    %jit3A = arith.constant 1.000000e+00 : f32
    %max3A = vector.broadcast %jit3A : f32 to vector<1x64xf32>
    %max3A_9 = arith.maximumf %max3A, %broadcast_in_dim3A : vector<1x64xf32>
    %transpose3A = tpu.transpose %max3A_9, [1, 0] : vector<1x64xf32> -> vector<64x1xf32>
    %div3A = vector.broadcast %transpose3A : vector<64x1xf32> to vector<64x128xf32>
    %div3A_10 = arith.divf %dot_general3A_7, %div3A : vector<64x128xf32>
    %get3A_11 = arith.constant 0 : index
    %get3A_12 = arith.constant 0 : index
    %get3A_13 = vector.load %arg2[%get3A_11, %get3A_12] : memref<128x64xf32, #tpu.memory_space<vmem>>, vector<128x64xf32>
    %dot_general3A_14 = arith.constant dense<0.000000e+00> : vector<64x64xf32>
    %dot_general3A_15 = tpu.matmul %div3A_10, %get3A_13, %dot_general3A_14 {dimension_numbers = #tpu.dot_dimension_numbers<[1], [0], [0], [1], [0, 0, 1, 1], [], []>, transpose_lhs_hint = false} : vector<64x128xf32>, vector<128x64xf32>, vector<64x64xf32> -> vector<64x64xf32>
    %get3A_16 = arith.constant 0 : index
    %get3A_17 = arith.constant 0 : index
    %get3A_18 = vector.load %arg3[%get3A_16, %get3A_17] : memref<1x64xf32, #tpu.memory_space<vmem>>, vector<1x64xf32>
    %add3A = vector.broadcast %get3A_18 : vector<1x64xf32> to vector<64x64xf32>
    %add3A_19 = arith.addf %dot_general3A_15, %add3A : vector<64x64xf32>
    %max3A_20 = arith.constant 0.000000e+00 : f32
    %max3A_21 = vector.broadcast %max3A_20 : f32 to vector<64x64xf32>
    %max3A_22 = arith.maximumf %add3A_19, %max3A_21 : vector<64x64xf32>
    %get3A_23 = arith.constant 0 : index
    %get3A_24 = arith.constant 0 : index
    %get3A_25 = vector.load %arg4[%get3A_23, %get3A_24] : memref<64x1xf32, #tpu.memory_space<vmem>>, vector<64x1xf32>
    %dot_general3A_26 = arith.constant dense<0.000000e+00> : vector<64x1xf32>
    %dot_general3A_27 = tpu.matmul %max3A_22, %get3A_25, %dot_general3A_26 {dimension_numbers = #tpu.dot_dimension_numbers<[1], [0], [0], [1], [0, 0, 1, 1], [], []>, transpose_lhs_hint = false} : vector<64x64xf32>, vector<64x1xf32>, vector<64x1xf32> -> vector<64x1xf32>
    %get3A_28 = arith.constant 0 : index
    %get3A_29 = arith.constant 0 : index
    %get3A_30 = vector.load %arg5[%get3A_28, %get3A_29] : memref<1x1xf32, #tpu.memory_space<vmem>>, vector<1x1xf32>
    %add3A_31 = vector.broadcast %get3A_30 : vector<1x1xf32> to vector<64x1xf32>
    %add3A_32 = arith.addf %dot_general3A_27, %add3A_31 : vector<64x1xf32>
    %swap3A = arith.constant 0 : index
    %swap3A_33 = arith.constant 0 : index
    %swap3A_34 = vector.load %arg6[%swap3A, %swap3A_33] : memref<64x1xf32, #tpu.memory_space<vmem>>, vector<64x1xf32>
    tpu.vector_store %arg6[%swap3A, %swap3A_33], %add3A_32 {strides = array<i32>} : memref<64x1xf32, #tpu.memory_space<vmem>>, vector<64x1xf32>,
    return
  }
}

</mosaic_0001>

<sc_bundles>
// kernel: kernel.15.cloned.1.call-start
scs
__scs_entry_jumppad:
0x0: {  	(pc) =	sbr.rel $0x88, $3  }
0x1: {  	(tag) =	ssettag $0x0;
	lr =	simm.s32 $0x1  }
0x2: {  	[smem:$0x3F86] =	sst lr;
	_ =	strace $0xD0000000  }
0x3: {  	_ = 	snop  }
0x4: {  	_ = 	snop  }
0x5: {  	_ = 	snop  }
0x6: {  	_ = 	snop  }
0x7: {  	_ = 	snop  }
__scs_overlays_trampoline_lowered:
0x8: {  	[smem:$0x3F95] =	sst s0  }
0x9: {  	[smem:$0x3F96] =	sst s1  }
0xa: {  	[smem:$0x3F97] =	sst s2  }
0xb: {  	[smem:$0x3F98] =	sst s3  }
0xc: {  	[smem:$0x3F99] =	sst s4  }
0xd: {  	[smem:$0x3F9A] =	sst s5  }
0xe: {  	[smem:$0x3F9B] =	sst s6  }
0xf: {  	[smem:$0x3F9C] =	sst s7  }
0x10: {  	[smem:$0x3F9D] =	sst s8  }
0x11: {  	[smem:$0x3F9E] =	sst s9;
	s0 =	simm.s32 @!p0 $0x0  }
0x12: {  	s1 =	sld [smem:$0x3F84];
	s0 =	simm.s32 @p0 $0x1  }
0x13: {  	[smem:$0x3F9F] =	sst s0;
	s0 =	simm.s32 @!p1 $0x0  }
0x14: {  	s2 =	sld [smem:$0x3F83];
	s0 =	simm.s32 @p1 $0x1  }
0x15: {  	[smem:$0x3FA0] =	sst s0;
	s0 =	simm.s32 @!p2 $0x0  }
0x16: {  	s3 =	sld [smem:$0x3FDB];
	s0 =	simm.s32 @p2 $0x1  }
0x17: {  	s4 =	simm.s32 $0x1BF5;
	[smem:$0x3FA2] =	sst s0  }
0x18: {  	s0 =	sld [smem:$0x3F85];
	_ =	swait.ge [sflag:s4], $0x0  }
0x19: {  	s7 =	sld [smem:$0x3F86]  }
0x1a: {  	s8 =	sadd.s32 $0xFFFFE003, lr  }
0x1b: {  	s9 =	sadd.s32 $0xFFFFFEF7, lr;
	s5 =	simm.s32 $0xFFFFFFFF;
	p2 =	slt.u32 s8, $0xFFFFF086  }
0x1c: {  	p1 =	slt.u32 s9, $0xF7A;
	s5 =	simm.s32 @!p2 $0x0  }
0x1d: {  	s5 =	simm.s32 @p1 $0x1;
	p0 =	seq.s32 s7, s2  }
0x1e: {  	s7 =	smul.u32 @!p0 $0xF7A, s2;
	p2 =	seq.s32 @!p0 s5, $0x0  }
0x1f: {  	s9 =	smul.u32 $0xF7A, s1;
	s8 =	simm.s32 @!p0 $0x1BF5;
	p2 =	por !p2, p0  }
0x20: {  	[sflag:s8] =	ssyncset.s32 @!p0 $0xFFFFF086;
	s6 =	sadd.s32 @!p0 s3, s7;
	s7 =	simm.s32 @!p0 $0x108  }
0x21: {  	s3 =	sadd.s32 s3, s9;
	s6 =	sadd.s32 @!p0 $0x88, s6;
	s7 =	simm.s32 @p2 $0x1082  }
0x22: {  	[simem:s7], [sflag:s8] =	dma.local @!p0 [hbm:s6], $0xF7A  }
0x23: {  	s9 =	sor.u32 $0xD0000000, s2;
	s6 =	simm.s32 $0x108;
	_ =	swait.ge @!p0 [sflag:s8], $0x0  }
0x24: {  	s3 =	sadd.s32 $0x88, s3;
	s6 =	simm.s32 @!p1 $0x1082;
	[sflag:s4] =	ssyncset.s32 $0xFFFFF086  }
0x25: {  	[simem:s6], [sflag:s4] =	dma.local [hbm:s3], $0xF7A  }
0x26: {  	[smem:$0x3F86] =	sst s1;
	(tag) =	ssettag s2;
	_ =	strace s9  }
0x27: {  	s1 =	sld [smem:$0x3F96]  }
0x28: {  	s2 =	sld [smem:$0x3F97]  }
0x29: {  	s4 =	sld [smem:$0x3F99]  }
0x2a: {  	p0 =	seq.s32 s5, $0x0;
	s5 =	sld [smem:$0x3F9A]  }
0x2b: {  	s6 =	sld [smem:$0x3F9B]  }
0x2c: {  	s7 =	sld [smem:$0x3F9C]  }
0x2d: {  	s3 =	simm.s32 $0x108;
	s8 =	sld [smem:$0x3F9D]  }
0x2e: {  	s3 =	simm.s32 @!p0 $0x1082;
	s9 =	sld [smem:$0x3F9E]  }
0x2f: {  	lr =	sadd.s32 s0, s3;
	s0 =	sld [smem:$0x3F95]  }
0x30: {  	s3 =	sld [smem:$0x3F98]  }
0x31: {  	[smem:$0x3FA1] =	sst s10  }
0x32: {  	s10 =	sld [smem:$0x3F9F];
	_ =	sdelay $0x3  }
0x33: {  	p0 =	seq.s32 s10, $0x1;
	s10 =	sld [smem:$0x3FA1];
	_ =	sdelay $0x3  }
0x34: {  	[smem:$0x3FA1] =	sst s10  }
0x35: {  	s10 =	sld [smem:$0x3FA0];
	_ =	sdelay $0x3  }
0x36: {  	p1 =	seq.s32 s10, $0x1;
	s10 =	sld [smem:$0x3FA1];
	_ =	sdelay $0x3  }
0x37: {  	[smem:$0x3FA1] =	sst s10  }
0x38: {  	s10 =	sld [smem:$0x3FA2]  }
0x39: {  	_ = 	snop;
	(pc) =	sbr.ind lr, $3  }
0x3a: {  	_ = 	snop  }
0x3b: {  	_ = 	snop  }
0x3c: {  	p2 =	seq.s32 s10, $0x1;
	s10 =	sld [smem:$0x3FA1]  }
0x3d: {  	_ =	shalt  }
0x3e: {  	_ =	shalt  }
0x3f: {  	_ =	shalt  }
0x40: {  	_ =	shalt  }
0x41: {  	_ =	shalt  }
0x42: {  	_ =	shalt  }
0x43: {  	_ =	shalt  }
0x44: {  	_ =	shalt  }
0x45: {  	_ =	shalt  }
0x46: {  	_ =	shalt  }
0x47: {  	_ =	shalt  }
0x48: {  	_ =	shalt  }
0x49: {  	_ =	shalt  }
0x4a: {  	_ =	shalt  }
0x4b: {  	_ =	shalt  }
0x4c: {  	_ =	shalt  }
0x4d: {  	_ =	shalt  }
0x4e: {  	_ =	shalt  }
0x4f: {  	_ =	shalt  }
0x50: {  	_ =	shalt  }
0x51: {  	_ =	shalt  }
0x52: {  	_ =	shalt  }
0x53: {  	_ =	shalt  }
0x54: {  	_ =	shalt  }
0x55: {  	_ =	shalt  }
0x56: {  	_ =	shalt  }
0x57: {  	_ =	shalt  }
0x58: {  	_ =	shalt  }
0x59: {  	_ =	shalt  }
0x5a: {  	_ =	shalt  }
0x5b: {  	_ =	shalt  }
0x5c: {  	_ =	shalt  }
0x5d: {  	_ =	shalt  }
0x5e: {  	_ =	shalt  }
0x5f: {  	_ =	shalt  }
0x60: {  	_ =	shalt  }
0x61: {  	_ =	shalt  }
0x62: {  	_ =	shalt  }
0x63: {  	_ =	shalt  }
0x64: {  	_ =	shalt  }
0x65: {  	_ =	shalt  }
0x66: {  	_ =	shalt  }
0x67: {  	_ =	shalt  }
0x68: {  	_ =	shalt  }
0x69: {  	_ =	shalt  }
0x6a: {  	_ =	shalt  }
0x6b: {  	_ =	shalt  }
0x6c: {  	_ =	shalt  }
0x6d: {  	_ =	shalt  }
0x6e: {  	_ =	shalt  }
0x6f: {  	_ =	shalt  }
0x70: {  	_ =	shalt  }
0x71: {  	_ =	shalt  }
0x72: {  	_ =	shalt  }
0x73: {  	_ =	shalt  }
0x74: {  	_ =	shalt  }
0x75: {  	_ =	shalt  }
0x76: {  	_ =	shalt  }
0x77: {  	_ =	shalt  }
0x78: {  	_ =	shalt  }
0x79: {  	_ =	shalt  }
0x7a: {  	_ =	shalt  }
0x7b: {  	_ =	shalt  }
0x7c: {  	_ =	shalt  }
0x7d: {  	_ =	shalt  }
0x7e: {  	_ =	shalt  }
0x7f: {  	_ =	shalt  }
0x80: {  	_ =	shalt  }
0x81: {  	_ =	shalt  }
0x82: {  	_ =	shalt  }
0x83: {  	_ =	shalt  }
0x84: {  	_ =	shalt  }
0x85: {  	_ =	shalt  }
0x86: {  	_ =	shalt  }
0x87: {  	_ =	shalt  }
.Lfunc_end0:
.L_simem_size_0:
called_computation_lowered:
.L_overlay_start_0:
0x88: {  	s2 =	sld [smem:$0x3FD9]  }
0x89: {  	s3 =	sld [smem:$0x3FFE];
	_ =	sdelay $0x1  }
0x8a: {  	s1 =	srdreg.scid  }
0x8b: {  	s0 =	sand.u32 $0x1, s1  }
0x8c: {  	s16 =	sshll.u32 s0, $0xA;
	s2 =	sadd.s32 s3, s2  }
0x8d: {  	s2 =	sadd.s32 s2, s16  }
0x8e: {  	[smem:$0x3FAD] =	sst s2  }
0x8f: {  	_ = 	snop  }
0x90: {  	(tm) =	ssettm $0x1  }
0x91: {  	s17 =	sld [smem:$0x3FFB];
	_ =	sdelay $0x3  }
0x92: {  	_ =	strace s17  }
0x93: {  	s2 =	sld [smem:$0x3FFC];
	_ =	sdelay $0x3  }
0x94: {  	_ =	strace s2  }
0x95: {  	s2 =	sld [smem:$0x3FFD];
	_ =	sdelay $0x3  }
0x96: {  	_ =	strace s2  }
0x97: {  	_ =	strace $0x8FFFFFFF  }
0x98: {  	s18 =	sld [smem:$0x3FDB];
	_ =	sdelay $0x1  }
0x99: {  	s19 =	simm.s32 $_scs_section_size  }
0x9a: {  	s4 =	simm.s32 $_size__tile_overlayer_lowered;
	s5 =	simm.s32 $_tile_overlayer_lowered  }
0x9b: {  	s22 =	simm.s32 $0x1BFF;
	s21 =	sshll.u32 s5, $0x1;
	s2 =	sadd.s32 s19, s18  }
0x9c: {  	s6 =	simm.s32 $0x0;
	s20 =	sshll.u32 s4, $0x1;
	s4 =	sadd.s32 s21, s2  }
0x9d: {  	[timem:s6], [sflag:s22] =	dma.local [hbm:s4], s20  }
0x9e: {  	_ =	swait.ge [sflag:s22], s20  }
0x9f: {  	s3 =	ssub.s32 $0x0, s20;
	[sflag:s22] =	ssyncset.done $0x0  }
0xa0: {  	[sflag:s22] =	ssyncadd.s32 s3;
	_ =	sdelay $0x1  }
0xa1: {  	s23 =	simm.s32 $0x1B8B  }
0xa2: {  	_ =	swait.ge [sflag:s23], $0x1  }
0xa3: {  	[sflag:s23] =	ssyncset.done $0x0  }
0xa4: {  	s25 =	simm.s32 $0x1B8E;
	s24 =	sld [smem:$0x3FFE];
	[sflag:s23] =	ssyncadd.s32 $0xFFFFFFFF  }
0xa5: {  	s26 =	simm.s32 $execute0_lowered;
	[smem:$0x3FD2] =	sst s25  }
0xa6: {  	s4 =	sshll.u32 s26, $0x1;
	_ =	strace $0x80000046;
	[dreg:$0x1] =	wrdreg $0xFFFFFFFF  }
0xa7: {  	s28 =	simm.s32 $_size_execute0_lowered;
	s2 =	sadd.s32 s2, s4;
	[dreg:$0x0] =	wrdreg $0x0  }
0xa8: {  	s4 =	sshll.u32 s28, $0x1;
	[dreg:$0x2] =	wrdreg s2  }
0xa9: {  	[dreg:$0x3] =	wrdreg s4  }
0xaa: {  	[dreg:$0x4] =	wrdreg $0xC0  }
0xab: {  	_ =	task [dreg:s6], $0x5FFFF  }
0xac: {  	[dreg:$0x1] =	wrdreg $0xFFFFFFFF  }
0xad: {  	[dreg:$0x0] =	wrdreg $0x60  }
0xae: {  	[dreg:$0x2] =	wrdreg s24  }
0xaf: {  	[dreg:$0x3] =	wrdreg $0x68000  }
0xb0: {  	[dreg:$0x4] =	wrdreg $0x9  }
0xb1: {  	_ =	task.clear_ibuf [dreg:s6], $0x5FFFF;
	_ =	strace $0x90000046  }
0xb2: {  	s29 =	simm.s32 $0x9;
	_ =	strace $0x80000048  }
0xb3: {  	_ =	swait.ge [sflag:s29], $0x1  }
0xb4: {  	[sflag:s29] =	ssyncadd.s32 $0xFFFFFFFF  }
0xb5: {  	_ =	strace $0x90000048  }
0xb6: {  	_ =	sfence  }
0xb7: {  	s30 =	sld [smem:$0x0];
	_ =	sdelay $0x2  }
0xb8: {  	s31 =	sshll.u32 s1, $0xD;
	s1 =	sshrl.u32 s1, $0x2  }
0xb9: {  	s3 =	sand.u32 $0x4000, s31;
	s1 =	sadd.s32 s1, s30  }
0xba: {  	s0 =	sor.u32 s3, s0;
	s1 =	sshll.u32 s1, $0x11  }
0xbb: {  	s0 =	sor.u32 s1, s0  }
0xbc: {  	s0 =	sadd.s32 $0x8F2B, s0  }
0xbd: {  	[sflag:s0] =	ssyncadd.remote.s32 $0x1  }
0xbe: {  	_ =	sfence.sel $0xFFFF  }
0xbf: {  	[dreg:$0x0] =	wrdreg $0xFFFFFFFF;
	(pc) =	sbr.abs _section_cstart, $3  }
0xc0: {  	[dreg:$0x1] =	wrdreg $0xFFFFFFFF  }
0xc1: {  	_ =	task.clear_ibuf [dreg:s6], $0x2FFFF;
	_ =	strace $0x9FFFFFFF  }
0xc2: {  	(tm) =	ssettm $0x7FFFFFFF  }
0xc3: {  	_ =	shalt  }
tec
execute0_lowered:
.L_overlay_start_1:
0x0: {  	(tag) =	ssettag $0x1  }
0x1: {  	s7 =	rddreg [dreg:$0x0]  }
0x2: {  	s0 =	srdreg.scid;
	s2 =	rddreg [dreg:$0x1]  }
0x3: {  	s3 =	simm.s32 $0x0;
	s12 =	simm.s32 $0x2800;
	s6 =	sand.u32 $0x1, s0  }
0x4: {  	s13 =	simm.s32 $0x80;
	s0 =	stileid.u32;
	s5 =	smul.u32 $0x13C000, s6  }
0x5: {  	s14 =	simm.s32 $0x0;
	[smem:$0x7FF] =	sst s3;
	s8 =	smul.u32 $0x13C00, s0  }
0x6: {  	s1 =	sshll.u32 s6, $0x4;
	s10 =	smul.u32 $0x4F000, s0;
	s6 =	ssub.s32 $0x2, s6  }
0x7: {  	s31 =	sshll.u32 s0, $0x6;
	s1 =	sor.u32 s0, s1;
	s30 =	sshrl.u32 s6, $0x1  }
0x8: {  	s4 =	smul.u32 $0x500, s1;
	s1 =	rddreg [dreg:$0x2];
	_ =	strace $0x80000047  }
0x9: {  	s8 =	sadd.s32 s8, s5;
	s5 =	sadd.s32 $0x1DA00, s7;
	s10 =	sshrl.u32 s10, $0x2  }
0xa: {  	s11 =	ssub.s32 s6, s30;
	s6 =	sor.u32 $0x1C01, s31;
	s8 =	sshrl.u32 s8, $0x3  }
0xb: {  	s10 =	sadd.s32 s10, s2;
	s9 =	sadd.s32 s4, s7;
	s4 =	sadd.s32 $0x1B200, s7  }
0xc: {  	s8 =	sadd.s32 s8, s7;
	s10 =	sshrl.u32 s10, $0x3;
	s7 =	sadd.s32 $0x11200, s9  }
0xd: {  	s8 =	sadd.s32 $0x1E200, s8;
	s9 =	smax.u32 s11, $0x1;
	s11 =	simm.s32 $0x1  }
.LBB2_1:
0xe: {  	[spmem:s10], [sflag:s6] =	dma.local [hbm:s4], $0x2780  }
0xf: {  	_ =	swait.ge [sflag:s11], $0x2780  }
0x10: {  	[sflag:s11] =	ssyncset.done $0x0  }
0x11: {  	[sflag:s11] =	ssyncadd.s32 $0xFFFFD880  }
0x12: {  	[tilespmem:s12], [sflag:$0x1] =	stream.linear.gather [hbm4b:s5+s3], $0x4000, $0x38;
	[tilespmem:$0x8F80] =	vst v63  }
0x13: {  	_ =	swait.ge [sflag:s11], $0x4000  }
0x14: {  	[sflag:s11] =	ssyncset.done $0x0  }
0x15: {  	[sflag:s11] =	ssyncadd.s32 $0xFFFFC000  }
0x16: {  	[tilespmem:s3], [sflag:$0x1] =	stream.linear.gather [hbm4b:s7+s3], $0x2800, $0x38;
	[tilespmem:$0x8F80] =	vst v63  }
0x17: {  	_ =	swait.ge [sflag:s11], $0x2800  }
0x18: {  	[sflag:s11] =	ssyncset.done $0x0  }
0x19: {  	[sflag:s11] =	ssyncadd.s32 $0xFFFFD800  }
0x1a: {  	s15 =	simm.s32 $0x0;
	[bflag:$0x0] =	sbarrier.arrive $0xFFFF  }
0x1b: {  	[spmem:s2] =	stream.indirect.scatter.add.f32 [tilespmem:s12], [sflag:$0x1], $0x10, s15, s13, $0xb8;
	[tilespmem:$0x8F80] =	vst v63  }
0x1c: {  	_ =	swait.ge [sflag:s11], $0x800  }
0x1d: {  	s15 =	simm.s32 $0x200;
	[sflag:s11] =	ssyncset.done $0x0  }
.LBB2_2:
0x1e: {  	s16 =	sshra.s32 s15, $0x2;
	[sflag:s11] =	ssyncadd.s32 $0xFFFFF800;
	p0 =	sne.s32 s15, $0x9E00  }
0x1f: {  	[spmem:s2] =	stream.indirect.scatter.add.f32 [tilespmem:s12], [sflag:$0x1], $0x10, s16, s13, $0xb8;
	[tilespmem:$0x8F80] =	vst v63  }
.Ltmp0:
0x20: {  	_ = 	snop;
	(pc) =	sbr.rel @p0 .LBB2_2-.Ltmp0, $4  }
0x21: {  	_ = 	snop  }
0x22: {  	s15 =	sadd.s32 $0x200, s15  }
0x23: {  	_ =	swait.ge [sflag:s11], $0x800  }
0x24: {  	[sflag:s11] =	ssyncset.done $0x0  }
0x25: {  	s14 =	sadd.s32 $0x1, s14  }
0x26: {  	[sflag:s11] =	ssyncadd.s32 $0xFFFFF800;
	p0 =	sne.s32 s14, s9  }
.Ltmp1:
0x27: {  	[bflag:$0x0] =	sbarrier.arrive $0xFFFF;
	(pc) =	sbr.rel @p0 .LBB2_1-.Ltmp1, $4  }
0x28: {  	[hbm:s8], [sflag:s6] =	dma.local [spmem:s10], $0x2780  }
0x29: {  	_ =	swait.ge [sflag:s11], $0x2780  }
0x2a: {  	[sflag:s11] =	ssyncset.done $0x0  }
0x2b: {  	[sflag:s11] =	ssyncadd.s32 $0xFFFFD880  }
0x2c: {  	_ =	sfence.sel $0x180000  }
0x2d: {  	[bflag:$0x0] =	sbarrier.arrive $0xFFFF  }
0x2e: {  	p0 =	sne.s32 s0, $0x0;
	_ =	strace $0x90000047  }
0x2f: {  	s0 =	sadd.s32 @!p0 $0x100000, s1;
	[bflag:$0x2] =	sbarrier.arrive $0xFFFF  }
0x30: {  	[sflag:s0] =	ssyncadd.tile.s32 @!p0 $0x1;
	_ =	shalt  }
.Lfunc_end2:
_tile_overlayer_lowered:
.L_overlay_start_2:
0x31: {  	(tag) =	ssettag $0x2  }
0x32: {  	s0 =	rddreg [dreg:$0x0];
	s2 =	stileid.u32  }
0x33: {  	s1 =	rddreg [dreg:$0x1];
	p0 =	sne.s32 s2, $0x0  }
0x34: {  	s3 =	rddreg [dreg:$0x2];
	[bflag:$0x3] =	sbarrier.arrive $0xFFFF;
	s2 =	simm.s32 @!p0 $0x1C01  }
0x35: {  	[timem:s3], [sflag:s2] =	dma.local @!p0 [hbm:s0], s1  }
0x36: {  	s0 =	simm.s32 @!p0 $0x1  }
0x37: {  	_ =	swait.ge @!p0 [sflag:s0], s1  }
0x38: {  	s1 =	ssub.s32 @!p0 $0x0, s1;
	[sflag:s0] =	ssyncset.done @!p0 $0x0  }
0x39: {  	[sflag:s0] =	ssyncadd.s32 @!p0 s1  }
0x3a: {  	[bflag:$0x3] =	sbarrier.arrive $0xFFFF  }
0x3b: {  	_ =	shalt  }

// kernel: kernel.18.cloned.1.call-start
scs
__scs_entry_jumppad:
0x0: {  	(pc) =	sbr.rel $0x88, $3  }
0x1: {  	(tag) =	ssettag $0x0;
	lr =	simm.s32 $0x1  }
0x2: {  	[smem:$0x3F86] =	sst lr;
	_ =	strace $0xD0000000  }
0x3: {  	_ = 	snop  }
0x4: {  	_ = 	snop  }
0x5: {  	_ = 	snop  }
0x6: {  	_ = 	snop  }
0x7: {  	_ = 	snop  }
__scs_overlays_trampoline_lowered:
0x8: {  	[smem:$0x3F95] =	sst s0  }
0x9: {  	[smem:$0x3F96] =	sst s1  }
0xa: {  	[smem:$0x3F97] =	sst s2  }
0xb: {  	[smem:$0x3F98] =	sst s3  }
0xc: {  	[smem:$0x3F99] =	sst s4  }
0xd: {  	[smem:$0x3F9A] =	sst s5  }
0xe: {  	[smem:$0x3F9B] =	sst s6  }
0xf: {  	[smem:$0x3F9C] =	sst s7  }
0x10: {  	[smem:$0x3F9D] =	sst s8  }
0x11: {  	[smem:$0x3F9E] =	sst s9;
	s0 =	simm.s32 @!p0 $0x0  }
0x12: {  	s1 =	sld [smem:$0x3F84];
	s0 =	simm.s32 @p0 $0x1  }
0x13: {  	[smem:$0x3F9F] =	sst s0;
	s0 =	simm.s32 @!p1 $0x0  }
0x14: {  	s2 =	sld [smem:$0x3F83];
	s0 =	simm.s32 @p1 $0x1  }
0x15: {  	[smem:$0x3FA0] =	sst s0;
	s0 =	simm.s32 @!p2 $0x0  }
0x16: {  	s3 =	sld [smem:$0x3FDB];
	s0 =	simm.s32 @p2 $0x1  }
0x17: {  	s4 =	simm.s32 $0x1BF5;
	[smem:$0x3FA2] =	sst s0  }
0x18: {  	s0 =	sld [smem:$0x3F85];
	_ =	swait.ge [sflag:s4], $0x0  }
0x19: {  	s7 =	sld [smem:$0x3F86]  }
0x1a: {  	s8 =	sadd.s32 $0xFFFFE003, lr  }
0x1b: {  	s9 =	sadd.s32 $0xFFFFFEF7, lr;
	s5 =	simm.s32 $0xFFFFFFFF;
	p2 =	slt.u32 s8, $0xFFFFF086  }
0x1c: {  	p1 =	slt.u32 s9, $0xF7A;
	s5 =	simm.s32 @!p2 $0x0  }
0x1d: {  	s5 =	simm.s32 @p1 $0x1;
	p0 =	seq.s32 s7, s2  }
0x1e: {  	s7 =	smul.u32 @!p0 $0xF7A, s2;
	p2 =	seq.s32 @!p0 s5, $0x0  }
0x1f: {  	s9 =	smul.u32 $0xF7A, s1;
	s8 =	simm.s32 @!p0 $0x1BF5;
	p2 =	por !p2, p0  }
0x20: {  	[sflag:s8] =	ssyncset.s32 @!p0 $0xFFFFF086;
	s6 =	sadd.s32 @!p0 s3, s7;
	s7 =	simm.s32 @!p0 $0x108  }
0x21: {  	s3 =	sadd.s32 s3, s9;
	s6 =	sadd.s32 @!p0 $0x88, s6;
	s7 =	simm.s32 @p2 $0x1082  }
0x22: {  	[simem:s7], [sflag:s8] =	dma.local @!p0 [hbm:s6], $0xF7A  }
0x23: {  	s9 =	sor.u32 $0xD0000000, s2;
	s6 =	simm.s32 $0x108;
	_ =	swait.ge @!p0 [sflag:s8], $0x0  }
0x24: {  	s3 =	sadd.s32 $0x88, s3;
	s6 =	simm.s32 @!p1 $0x1082;
	[sflag:s4] =	ssyncset.s32 $0xFFFFF086  }
0x25: {  	[simem:s6], [sflag:s4] =	dma.local [hbm:s3], $0xF7A  }
0x26: {  	[smem:$0x3F86] =	sst s1;
	(tag) =	ssettag s2;
	_ =	strace s9  }
0x27: {  	s1 =	sld [smem:$0x3F96]  }
0x28: {  	s2 =	sld [smem:$0x3F97]  }
0x29: {  	s4 =	sld [smem:$0x3F99]  }
0x2a: {  	p0 =	seq.s32 s5, $0x0;
	s5 =	sld [smem:$0x3F9A]  }
0x2b: {  	s6 =	sld [smem:$0x3F9B]  }
0x2c: {  	s7 =	sld [smem:$0x3F9C]  }
0x2d: {  	s3 =	simm.s32 $0x108;
	s8 =	sld [smem:$0x3F9D]  }
0x2e: {  	s3 =	simm.s32 @!p0 $0x1082;
	s9 =	sld [smem:$0x3F9E]  }
0x2f: {  	lr =	sadd.s32 s0, s3;
	s0 =	sld [smem:$0x3F95]  }
0x30: {  	s3 =	sld [smem:$0x3F98]  }
0x31: {  	[smem:$0x3FA1] =	sst s10  }
0x32: {  	s10 =	sld [smem:$0x3F9F];
	_ =	sdelay $0x3  }
0x33: {  	p0 =	seq.s32 s10, $0x1;
	s10 =	sld [smem:$0x3FA1];
	_ =	sdelay $0x3  }
0x34: {  	[smem:$0x3FA1] =	sst s10  }
0x35: {  	s10 =	sld [smem:$0x3FA0];
	_ =	sdelay $0x3  }
0x36: {  	p1 =	seq.s32 s10, $0x1;
	s10 =	sld [smem:$0x3FA1];
	_ =	sdelay $0x3  }
0x37: {  	[smem:$0x3FA1] =	sst s10  }
0x38: {  	s10 =	sld [smem:$0x3FA2]  }
0x39: {  	_ = 	snop;
	(pc) =	sbr.ind lr, $3  }
0x3a: {  	_ = 	snop  }
0x3b: {  	_ = 	snop  }
0x3c: {  	p2 =	seq.s32 s10, $0x1;
	s10 =	sld [smem:$0x3FA1]  }
0x3d: {  	_ =	shalt  }
0x3e: {  	_ =	shalt  }
0x3f: {  	_ =	shalt  }
0x40: {  	_ =	shalt  }
0x41: {  	_ =	shalt  }
0x42: {  	_ =	shalt  }
0x43: {  	_ =	shalt  }
0x44: {  	_ =	shalt  }
0x45: {  	_ =	shalt  }
0x46: {  	_ =	shalt  }
0x47: {  	_ =	shalt  }
0x48: {  	_ =	shalt  }
0x49: {  	_ =	shalt  }
0x4a: {  	_ =	shalt  }
0x4b: {  	_ =	shalt  }
0x4c: {  	_ =	shalt  }
0x4d: {  	_ =	shalt  }
0x4e: {  	_ =	shalt  }
0x4f: {  	_ =	shalt  }
0x50: {  	_ =	shalt  }
0x51: {  	_ =	shalt  }
0x52: {  	_ =	shalt  }
0x53: {  	_ =	shalt  }
0x54: {  	_ =	shalt  }
0x55: {  	_ =	shalt  }
0x56: {  	_ =	shalt  }
0x57: {  	_ =	shalt  }
0x58: {  	_ =	shalt  }
0x59: {  	_ =	shalt  }
0x5a: {  	_ =	shalt  }
0x5b: {  	_ =	shalt  }
0x5c: {  	_ =	shalt  }
0x5d: {  	_ =	shalt  }
0x5e: {  	_ =	shalt  }
0x5f: {  	_ =	shalt  }
0x60: {  	_ =	shalt  }
0x61: {  	_ =	shalt  }
0x62: {  	_ =	shalt  }
0x63: {  	_ =	shalt  }
0x64: {  	_ =	shalt  }
0x65: {  	_ =	shalt  }
0x66: {  	_ =	shalt  }
0x67: {  	_ =	shalt  }
0x68: {  	_ =	shalt  }
0x69: {  	_ =	shalt  }
0x6a: {  	_ =	shalt  }
0x6b: {  	_ =	shalt  }
0x6c: {  	_ =	shalt  }
0x6d: {  	_ =	shalt  }
0x6e: {  	_ =	shalt  }
0x6f: {  	_ =	shalt  }
0x70: {  	_ =	shalt  }
0x71: {  	_ =	shalt  }
0x72: {  	_ =	shalt  }
0x73: {  	_ =	shalt  }
0x74: {  	_ =	shalt  }
0x75: {  	_ =	shalt  }
0x76: {  	_ =	shalt  }
0x77: {  	_ =	shalt  }
0x78: {  	_ =	shalt  }
0x79: {  	_ =	shalt  }
0x7a: {  	_ =	shalt  }
0x7b: {  	_ =	shalt  }
0x7c: {  	_ =	shalt  }
0x7d: {  	_ =	shalt  }
0x7e: {  	_ =	shalt  }
0x7f: {  	_ =	shalt  }
0x80: {  	_ =	shalt  }
0x81: {  	_ =	shalt  }
0x82: {  	_ =	shalt  }
0x83: {  	_ =	shalt  }
0x84: {  	_ =	shalt  }
0x85: {  	_ =	shalt  }
0x86: {  	_ =	shalt  }
0x87: {  	_ =	shalt  }
.Lfunc_end0:
.L_simem_size_0:
called_computation.1_lowered:
.L_overlay_start_0:
0x88: {  	s2 =	sld [smem:$0x3FD9]  }
0x89: {  	s3 =	sld [smem:$0x3FFE];
	_ =	sdelay $0x1  }
0x8a: {  	s1 =	srdreg.scid  }
0x8b: {  	s0 =	sand.u32 $0x1, s1  }
0x8c: {  	s16 =	sshll.u32 s0, $0xA;
	s2 =	sadd.s32 s3, s2  }
0x8d: {  	s2 =	sadd.s32 s2, s16  }
0x8e: {  	[smem:$0x3FAD] =	sst s2  }
0x8f: {  	_ = 	snop  }
0x90: {  	(tm) =	ssettm $0x1  }
0x91: {  	s17 =	sld [smem:$0x3FFB];
	_ =	sdelay $0x3  }
0x92: {  	_ =	strace s17  }
0x93: {  	s2 =	sld [smem:$0x3FFC];
	_ =	sdelay $0x3  }
0x94: {  	_ =	strace s2  }
0x95: {  	s2 =	sld [smem:$0x3FFD];
	_ =	sdelay $0x3  }
0x96: {  	_ =	strace s2  }
0x97: {  	_ =	strace $0x8FFFFFFF  }
0x98: {  	s18 =	sld [smem:$0x3FDB];
	_ =	sdelay $0x1  }
0x99: {  	s19 =	simm.s32 $_scs_section_size  }
0x9a: {  	s4 =	simm.s32 $_size__tile_overlayer_lowered;
	s5 =	simm.s32 $_tile_overlayer_lowered  }
0x9b: {  	s22 =	simm.s32 $0x1BFF;
	s21 =	sshll.u32 s5, $0x1;
	s2 =	sadd.s32 s19, s18  }
0x9c: {  	s6 =	simm.s32 $0x0;
	s20 =	sshll.u32 s4, $0x1;
	s4 =	sadd.s32 s21, s2  }
0x9d: {  	[timem:s6], [sflag:s22] =	dma.local [hbm:s4], s20  }
0x9e: {  	_ =	swait.ge [sflag:s22], s20  }
0x9f: {  	s3 =	ssub.s32 $0x0, s20;
	[sflag:s22] =	ssyncset.done $0x0  }
0xa0: {  	[sflag:s22] =	ssyncadd.s32 s3;
	_ =	sdelay $0x1  }
0xa1: {  	s23 =	simm.s32 $0x1B8B  }
0xa2: {  	_ =	swait.ge [sflag:s23], $0x1  }
0xa3: {  	[sflag:s23] =	ssyncset.done $0x0  }
0xa4: {  	s25 =	simm.s32 $0x1B8E;
	s24 =	sld [smem:$0x3FFE];
	[sflag:s23] =	ssyncadd.s32 $0xFFFFFFFF  }
0xa5: {  	s26 =	simm.s32 $execute0_lowered;
	[smem:$0x3FD2] =	sst s25  }
0xa6: {  	s4 =	sshll.u32 s26, $0x1;
	_ =	strace $0x80000049;
	[dreg:$0x1] =	wrdreg $0xFFFFFFFF  }
0xa7: {  	s28 =	simm.s32 $_size_execute0_lowered;
	s2 =	sadd.s32 s2, s4;
	[dreg:$0x0] =	wrdreg $0x0  }
0xa8: {  	s4 =	sshll.u32 s28, $0x1;
	[dreg:$0x2] =	wrdreg s2  }
0xa9: {  	[dreg:$0x3] =	wrdreg s4  }
0xaa: {  	[dreg:$0x4] =	wrdreg $0xC0  }
0xab: {  	_ =	task [dreg:s6], $0x5FFFF  }
0xac: {  	[dreg:$0x1] =	wrdreg $0xFFFFFFFF  }
0xad: {  	[dreg:$0x0] =	wrdreg $0x60  }
0xae: {  	[dreg:$0x2] =	wrdreg s24  }
0xaf: {  	[dreg:$0x3] =	wrdreg $0x90000  }
0xb0: {  	[dreg:$0x4] =	wrdreg $0x9  }
0xb1: {  	_ =	task.clear_ibuf [dreg:s6], $0x5FFFF;
	_ =	strace $0x90000049  }
0xb2: {  	s29 =	simm.s32 $0x9;
	_ =	strace $0x8000004B  }
0xb3: {  	_ =	swait.ge [sflag:s29], $0x1  }
0xb4: {  	[sflag:s29] =	ssyncadd.s32 $0xFFFFFFFF  }
0xb5: {  	_ =	strace $0x9000004B  }
0xb6: {  	_ =	sfence  }
0xb7: {  	s30 =	sld [smem:$0x0];
	_ =	sdelay $0x2  }
0xb8: {  	s31 =	sshll.u32 s1, $0xD;
	s1 =	sshrl.u32 s1, $0x2  }
0xb9: {  	s3 =	sand.u32 $0x4000, s31;
	s1 =	sadd.s32 s1, s30  }
0xba: {  	s0 =	sor.u32 s3, s0;
	s1 =	sshll.u32 s1, $0x11  }
0xbb: {  	s0 =	sor.u32 s1, s0  }
0xbc: {  	s0 =	sadd.s32 $0x8F2B, s0  }
0xbd: {  	[sflag:s0] =	ssyncadd.remote.s32 $0x1  }
0xbe: {  	_ =	sfence.sel $0xFFFF  }
0xbf: {  	[dreg:$0x0] =	wrdreg $0xFFFFFFFF;
	(pc) =	sbr.abs _section_cstart, $3  }
0xc0: {  	[dreg:$0x1] =	wrdreg $0xFFFFFFFF  }
0xc1: {  	_ =	task.clear_ibuf [dreg:s6], $0x2FFFF;
	_ =	strace $0x9FFFFFFF  }
0xc2: {  	(tm) =	ssettm $0x7FFFFFFF  }
0xc3: {  	_ =	shalt  }
tec
execute0_lowered:
.L_overlay_start_1:
0x0: {  	(tag) =	ssettag $0x1  }
0x1: {  	s0 =	srdreg.scid;
	s6 =	rddreg [dreg:$0x0]  }
0x2: {  	s2 =	rddreg [dreg:$0x1];
	s3 =	simm.s32 $0x0;
	s14 =	simm.s32 $0x80  }
0x3: {  	s15 =	simm.s32 $0x5000;
	s5 =	sand.u32 $0x1, s0;
	s0 =	stileid.u32  }
0x4: {  	s16 =	simm.s32 $0x0;
	[smem:$0x7FF] =	sst s3;
	s8 =	smul.u32 $0x13C000, s5  }
0x5: {  	s4 =	sadd.s32 $0x1B200, s6;
	s1 =	sshll.u32 s5, $0x4;
	s9 =	smul.u32 $0x13C00, s0  }
0x6: {  	s26 =	ssub.s32 $0x2, s5;
	s28 =	smul.u32 $0x4F000, s0;
	s5 =	sadd.s32 $0x69600, s6  }
0x7: {  	s31 =	sshll.u32 s0, $0x6;
	s1 =	sor.u32 s0, s1;
	s29 =	sshrl.u32 s26, $0x1  }
0x8: {  	s7 =	smul.u32 $0x500, s1;
	s1 =	rddreg [dreg:$0x2];
	_ =	strace $0x8000004A  }
0x9: {  	s25 =	sadd.s32 s9, s8;
	s12 =	ssub.s32 s26, s29;
	s30 =	sshrl.u32 s28, $0x2  }
0xa: {  	s13 =	sadd.s32 s30, s2;
	s10 =	sadd.s32 s7, s6;
	s7 =	sshrl.u32 s25, $0x3  }
0xb: {  	s11 =	sadd.s32 s7, s6;
	s6 =	sor.u32 $0x1C01, s31;
	s7 =	sadd.s32 $0x7200, s10  }
0xc: {  	s8 =	sadd.s32 $0x11200, s10;
	s10 =	smax.u32 s12, $0x1;
	s12 =	simm.s32 $0x1  }
0xd: {  	s9 =	sadd.s32 $0x6BE00, s11;
	s11 =	sshrl.u32 s13, $0x3;
	s13 =	simm.s32 $0x2800  }
.LBB2_1:
0xe: {  	[spmem:s11], [sflag:s6] =	dma.local [hbm:s5], $0x2780  }
0xf: {  	_ =	swait.ge [sflag:s12], $0x2780  }
0x10: {  	[sflag:s12] =	ssyncset.done $0x0  }
0x11: {  	[sflag:s12] =	ssyncadd.s32 $0xFFFFD880  }
0x12: {  	[tilespmem:s3], [sflag:$0x1] =	stream.linear.gather [hbm4b:s7+s3], $0x2800, $0x38;
	[tilespmem:$0x1CC00] =	vst v63  }
0x13: {  	_ =	swait.ge [sflag:s12], $0x2800  }
0x14: {  	[sflag:s12] =	ssyncset.done $0x0  }
0x15: {  	[sflag:s12] =	ssyncadd.s32 $0xFFFFD800  }
0x16: {  	[tilespmem:s13], [sflag:$0x1] =	stream.linear.gather [hbm4b:s8+s3], $0x2800, $0x38;
	[tilespmem:$0x1CC00] =	vst v63  }
0x17: {  	_ =	swait.ge [sflag:s12], $0x2800  }
0x18: {  	[sflag:s12] =	ssyncset.done $0x0  }
0x19: {  	[sflag:s12] =	ssyncadd.s32 $0xFFFFD800  }
0x1a: {  	s17 =	simm.s32 $0x0;
	[bflag:$0x0] =	sbarrier.arrive $0xFFFF  }
0x1b: {  	[tilespmem:s15], [sflag:$0x1] =	stream.indirect.gather [hbm4b:s4+s14], $0x80, s17, s14, $0xb8;
	[tilespmem:$0x1CC00] =	vst v63  }
0x1c: {  	_ =	swait.ge [sflag:s12], $0x4000  }
0x1d: {  	[sflag:s12] =	ssyncset.done $0x0  }
0x1e: {  	s31 =	simm.s32 $0x2800;
	[sflag:s12] =	ssyncadd.s32 $0xFFFFC000  }
0x1f: {  	[spmem:s2] =	stream.indirect.scatter.add.f32 [tilespmem:s15], [sflag:$0x1], $0x80, s31, s14, $0xb8;
	[tilespmem:$0x1CC00] =	vst v63  }
0x20: {  	_ =	swait.ge [sflag:s12], $0x4000  }
0x21: {  	s18 =	simm.s32 $0x400;
	s17 =	simm.s32 $0x200;
	[sflag:s12] =	ssyncset.done $0x0  }
.LBB2_2:
0x22: {  	s19 =	sshra.s32 s17, $0x2  }
0x23: {  	[sflag:s12] =	ssyncadd.s32 $0xFFFFC000;
	s17 =	smov.u32 s18;
	s20 =	sadd.s32 $0x200, s18  }
0x24: {  	[tilespmem:s15], [sflag:$0x1] =	stream.indirect.gather [hbm4b:s4+s14], $0x80, s19, s14, $0xb8;
	[tilespmem:$0x1CC00] =	vst v63  }
0x25: {  	p0 =	sne.s32 s18, $0x9E00;
	_ =	swait.ge [sflag:s12], $0x4000  }
.Ltmp0:
0x26: {  	[sflag:s12] =	ssyncset.done $0x0;
	(pc) =	sbr.rel @p0 .LBB2_2-.Ltmp0, $4  }
0x27: {  	s18 =	sadd.s32 $0x2800, s19;
	[sflag:s12] =	ssyncadd.s32 $0xFFFFC000  }
0x28: {  	[spmem:s2] =	stream.indirect.scatter.add.f32 [tilespmem:s15], [sflag:$0x1], $0x80, s18, s14, $0xb8;
	[tilespmem:$0x1CC00] =	vst v63  }
0x29: {  	_ =	swait.ge [sflag:s12], $0x4000  }
0x2a: {  	s18 =	smov.u32 s20;
	[sflag:s12] =	ssyncset.done $0x0  }
0x2b: {  	s17 =	sshra.s32 s17, $0x2;
	[sflag:s12] =	ssyncadd.s32 $0xFFFFC000  }
0x2c: {  	[tilespmem:s15], [sflag:$0x1] =	stream.indirect.gather [hbm4b:s4+s14], $0x80, s17, s14, $0xb8;
	[tilespmem:$0x1CC00] =	vst v63  }
0x2d: {  	_ =	swait.ge [sflag:s12], $0x4000  }
0x2e: {  	[sflag:s12] =	ssyncset.done $0x0  }
0x2f: {  	s17 =	sadd.s32 $0x2800, s17;
	[sflag:s12] =	ssyncadd.s32 $0xFFFFC000  }
0x30: {  	[spmem:s2] =	stream.indirect.scatter.add.f32 [tilespmem:s15], [sflag:$0x1], $0x80, s17, s14, $0xb8;
	[tilespmem:$0x1CC00] =	vst v63  }
0x31: {  	_ =	swait.ge [sflag:s12], $0x4000  }
0x32: {  	s16 =	sadd.s32 $0x1, s16;
	[sflag:s12] =	ssyncset.done $0x0  }
0x33: {  	p0 =	sne.s32 s16, s10;
	[sflag:s12] =	ssyncadd.s32 $0xFFFFC000  }
.Ltmp1:
0x34: {  	[bflag:$0x0] =	sbarrier.arrive $0xFFFF;
	(pc) =	sbr.rel @p0 .LBB2_1-.Ltmp1, $4  }
0x35: {  	[hbm:s9], [sflag:s6] =	dma.local [spmem:s11], $0x2780  }
0x36: {  	_ =	swait.ge [sflag:s12], $0x2780  }
0x37: {  	[sflag:s12] =	ssyncset.done $0x0  }
0x38: {  	[sflag:s12] =	ssyncadd.s32 $0xFFFFD880  }
0x39: {  	_ =	sfence.sel $0x180000  }
0x3a: {  	[bflag:$0x0] =	sbarrier.arrive $0xFFFF  }
0x3b: {  	p0 =	sne.s32 s0, $0x0;
	_ =	strace $0x9000004A  }
0x3c: {  	s0 =	sadd.s32 @!p0 $0x100000, s1;
	[bflag:$0x2] =	sbarrier.arrive $0xFFFF  }
0x3d: {  	[sflag:s0] =	ssyncadd.tile.s32 @!p0 $0x1;
	_ =	shalt  }
.Lfunc_end2:
_tile_overlayer_lowered:
.L_overlay_start_2:
0x3e: {  	(tag) =	ssettag $0x2  }
0x3f: {  	s0 =	rddreg [dreg:$0x0];
	s2 =	stileid.u32  }
0x40: {  	s1 =	rddreg [dreg:$0x1];
	p0 =	sne.s32 s2, $0x0  }
0x41: {  	s3 =	rddreg [dreg:$0x2];
	[bflag:$0x3] =	sbarrier.arrive $0xFFFF;
	s2 =	simm.s32 @!p0 $0x1C01  }
0x42: {  	[timem:s3], [sflag:s2] =	dma.local @!p0 [hbm:s0], s1  }
0x43: {  	s0 =	simm.s32 @!p0 $0x1  }
0x44: {  	_ =	swait.ge @!p0 [sflag:s0], s1  }
0x45: {  	s1 =	ssub.s32 @!p0 $0x0, s1;
	[sflag:s0] =	ssyncset.done @!p0 $0x0  }
0x46: {  	[sflag:s0] =	ssyncadd.s32 @!p0 s1  }
0x47: {  	[bflag:$0x3] =	sbarrier.arrive $0xFFFF  }
0x48: {  	_ =	shalt  }

// kernel: kernel.21.cloned.1.call-start
scs
__scs_entry_jumppad:
0x0: {  	(pc) =	sbr.rel $0x88, $3  }
0x1: {  	(tag) =	ssettag $0x0;
	lr =	simm.s32 $0x1  }
0x2: {  	[smem:$0x3F86] =	sst lr;
	_ =	strace $0xD0000000  }
0x3: {  	_ = 	snop  }
0x4: {  	_ = 	snop  }
0x5: {  	_ = 	snop  }
0x6: {  	_ = 	snop  }
0x7: {  	_ = 	snop  }
__scs_overlays_trampoline_lowered:
0x8: {  	[smem:$0x3F95] =	sst s0  }
0x9: {  	[smem:$0x3F96] =	sst s1  }
0xa: {  	[smem:$0x3F97] =	sst s2  }
0xb: {  	[smem:$0x3F98] =	sst s3  }
0xc: {  	[smem:$0x3F99] =	sst s4  }
0xd: {  	[smem:$0x3F9A] =	sst s5  }
0xe: {  	[smem:$0x3F9B] =	sst s6  }
0xf: {  	[smem:$0x3F9C] =	sst s7  }
0x10: {  	[smem:$0x3F9D] =	sst s8  }
0x11: {  	[smem:$0x3F9E] =	sst s9;
	s0 =	simm.s32 @!p0 $0x0  }
0x12: {  	s1 =	sld [smem:$0x3F84];
	s0 =	simm.s32 @p0 $0x1  }
0x13: {  	[smem:$0x3F9F] =	sst s0;
	s0 =	simm.s32 @!p1 $0x0  }
0x14: {  	s2 =	sld [smem:$0x3F83];
	s0 =	simm.s32 @p1 $0x1  }
0x15: {  	[smem:$0x3FA0] =	sst s0;
	s0 =	simm.s32 @!p2 $0x0  }
0x16: {  	s3 =	sld [smem:$0x3FDB];
	s0 =	simm.s32 @p2 $0x1  }
0x17: {  	s4 =	simm.s32 $0x1BF5;
	[smem:$0x3FA2] =	sst s0  }
0x18: {  	s0 =	sld [smem:$0x3F85];
	_ =	swait.ge [sflag:s4], $0x0  }
0x19: {  	s7 =	sld [smem:$0x3F86]  }
0x1a: {  	s8 =	sadd.s32 $0xFFFFE003, lr  }
0x1b: {  	s9 =	sadd.s32 $0xFFFFFEF7, lr;
	s5 =	simm.s32 $0xFFFFFFFF;
	p2 =	slt.u32 s8, $0xFFFFF086  }
0x1c: {  	p1 =	slt.u32 s9, $0xF7A;
	s5 =	simm.s32 @!p2 $0x0  }
0x1d: {  	s5 =	simm.s32 @p1 $0x1;
	p0 =	seq.s32 s7, s2  }
0x1e: {  	s7 =	smul.u32 @!p0 $0xF7A, s2;
	p2 =	seq.s32 @!p0 s5, $0x0  }
0x1f: {  	s9 =	smul.u32 $0xF7A, s1;
	s8 =	simm.s32 @!p0 $0x1BF5;
	p2 =	por !p2, p0  }
0x20: {  	[sflag:s8] =	ssyncset.s32 @!p0 $0xFFFFF086;
	s6 =	sadd.s32 @!p0 s3, s7;
	s7 =	simm.s32 @!p0 $0x108  }
0x21: {  	s3 =	sadd.s32 s3, s9;
	s6 =	sadd.s32 @!p0 $0x88, s6;
	s7 =	simm.s32 @p2 $0x1082  }
0x22: {  	[simem:s7], [sflag:s8] =	dma.local @!p0 [hbm:s6], $0xF7A  }
0x23: {  	s9 =	sor.u32 $0xD0000000, s2;
	s6 =	simm.s32 $0x108;
	_ =	swait.ge @!p0 [sflag:s8], $0x0  }
0x24: {  	s3 =	sadd.s32 $0x88, s3;
	s6 =	simm.s32 @!p1 $0x1082;
	[sflag:s4] =	ssyncset.s32 $0xFFFFF086  }
0x25: {  	[simem:s6], [sflag:s4] =	dma.local [hbm:s3], $0xF7A  }
0x26: {  	[smem:$0x3F86] =	sst s1;
	(tag) =	ssettag s2;
	_ =	strace s9  }
0x27: {  	s1 =	sld [smem:$0x3F96]  }
0x28: {  	s2 =	sld [smem:$0x3F97]  }
0x29: {  	s4 =	sld [smem:$0x3F99]  }
0x2a: {  	p0 =	seq.s32 s5, $0x0;
	s5 =	sld [smem:$0x3F9A]  }
0x2b: {  	s6 =	sld [smem:$0x3F9B]  }
0x2c: {  	s7 =	sld [smem:$0x3F9C]  }
0x2d: {  	s3 =	simm.s32 $0x108;
	s8 =	sld [smem:$0x3F9D]  }
0x2e: {  	s3 =	simm.s32 @!p0 $0x1082;
	s9 =	sld [smem:$0x3F9E]  }
0x2f: {  	lr =	sadd.s32 s0, s3;
	s0 =	sld [smem:$0x3F95]  }
0x30: {  	s3 =	sld [smem:$0x3F98]  }
0x31: {  	[smem:$0x3FA1] =	sst s10  }
0x32: {  	s10 =	sld [smem:$0x3F9F];
	_ =	sdelay $0x3  }
0x33: {  	p0 =	seq.s32 s10, $0x1;
	s10 =	sld [smem:$0x3FA1];
	_ =	sdelay $0x3  }
0x34: {  	[smem:$0x3FA1] =	sst s10  }
0x35: {  	s10 =	sld [smem:$0x3FA0];
	_ =	sdelay $0x3  }
0x36: {  	p1 =	seq.s32 s10, $0x1;
	s10 =	sld [smem:$0x3FA1];
	_ =	sdelay $0x3  }
0x37: {  	[smem:$0x3FA1] =	sst s10  }
0x38: {  	s10 =	sld [smem:$0x3FA2]  }
0x39: {  	_ = 	snop;
	(pc) =	sbr.ind lr, $3  }
0x3a: {  	_ = 	snop  }
0x3b: {  	_ = 	snop  }
0x3c: {  	p2 =	seq.s32 s10, $0x1;
	s10 =	sld [smem:$0x3FA1]  }
0x3d: {  	_ =	shalt  }
0x3e: {  	_ =	shalt  }
0x3f: {  	_ =	shalt  }
0x40: {  	_ =	shalt  }
0x41: {  	_ =	shalt  }
0x42: {  	_ =	shalt  }
0x43: {  	_ =	shalt  }
0x44: {  	_ =	shalt  }
0x45: {  	_ =	shalt  }
0x46: {  	_ =	shalt  }
0x47: {  	_ =	shalt  }
0x48: {  	_ =	shalt  }
0x49: {  	_ =	shalt  }
0x4a: {  	_ =	shalt  }
0x4b: {  	_ =	shalt  }
0x4c: {  	_ =	shalt  }
0x4d: {  	_ =	shalt  }
0x4e: {  	_ =	shalt  }
0x4f: {  	_ =	shalt  }
0x50: {  	_ =	shalt  }
0x51: {  	_ =	shalt  }
0x52: {  	_ =	shalt  }
0x53: {  	_ =	shalt  }
0x54: {  	_ =	shalt  }
0x55: {  	_ =	shalt  }
0x56: {  	_ =	shalt  }
0x57: {  	_ =	shalt  }
0x58: {  	_ =	shalt  }
0x59: {  	_ =	shalt  }
0x5a: {  	_ =	shalt  }
0x5b: {  	_ =	shalt  }
0x5c: {  	_ =	shalt  }
0x5d: {  	_ =	shalt  }
0x5e: {  	_ =	shalt  }
0x5f: {  	_ =	shalt  }
0x60: {  	_ =	shalt  }
0x61: {  	_ =	shalt  }
0x62: {  	_ =	shalt  }
0x63: {  	_ =	shalt  }
0x64: {  	_ =	shalt  }
0x65: {  	_ =	shalt  }
0x66: {  	_ =	shalt  }
0x67: {  	_ =	shalt  }
0x68: {  	_ =	shalt  }
0x69: {  	_ =	shalt  }
0x6a: {  	_ =	shalt  }
0x6b: {  	_ =	shalt  }
0x6c: {  	_ =	shalt  }
0x6d: {  	_ =	shalt  }
0x6e: {  	_ =	shalt  }
0x6f: {  	_ =	shalt  }
0x70: {  	_ =	shalt  }
0x71: {  	_ =	shalt  }
0x72: {  	_ =	shalt  }
0x73: {  	_ =	shalt  }
0x74: {  	_ =	shalt  }
0x75: {  	_ =	shalt  }
0x76: {  	_ =	shalt  }
0x77: {  	_ =	shalt  }
0x78: {  	_ =	shalt  }
0x79: {  	_ =	shalt  }
0x7a: {  	_ =	shalt  }
0x7b: {  	_ =	shalt  }
0x7c: {  	_ =	shalt  }
0x7d: {  	_ =	shalt  }
0x7e: {  	_ =	shalt  }
0x7f: {  	_ =	shalt  }
0x80: {  	_ =	shalt  }
0x81: {  	_ =	shalt  }
0x82: {  	_ =	shalt  }
0x83: {  	_ =	shalt  }
0x84: {  	_ =	shalt  }
0x85: {  	_ =	shalt  }
0x86: {  	_ =	shalt  }
0x87: {  	_ =	shalt  }
.Lfunc_end0:
.L_simem_size_0:
called_computation.2_lowered:
.L_overlay_start_0:
0x88: {  	s2 =	sld [smem:$0x3FD9]  }
0x89: {  	s3 =	sld [smem:$0x3FFE];
	_ =	sdelay $0x1  }
0x8a: {  	s1 =	srdreg.scid  }
0x8b: {  	s0 =	sand.u32 $0x1, s1  }
0x8c: {  	s16 =	sshll.u32 s0, $0xA;
	s2 =	sadd.s32 s3, s2  }
0x8d: {  	s2 =	sadd.s32 s2, s16  }
0x8e: {  	[smem:$0x3FAD] =	sst s2  }
0x8f: {  	_ = 	snop  }
0x90: {  	(tm) =	ssettm $0x1  }
0x91: {  	s17 =	sld [smem:$0x3FFB];
	_ =	sdelay $0x3  }
0x92: {  	_ =	strace s17  }
0x93: {  	s2 =	sld [smem:$0x3FFC];
	_ =	sdelay $0x3  }
0x94: {  	_ =	strace s2  }
0x95: {  	s2 =	sld [smem:$0x3FFD];
	_ =	sdelay $0x3  }
0x96: {  	_ =	strace s2  }
0x97: {  	_ =	strace $0x8FFFFFFF  }
0x98: {  	s18 =	sld [smem:$0x3FDB];
	_ =	sdelay $0x1  }
0x99: {  	s19 =	simm.s32 $_scs_section_size  }
0x9a: {  	s4 =	simm.s32 $_size__tile_overlayer_lowered;
	s5 =	simm.s32 $_tile_overlayer_lowered  }
0x9b: {  	s22 =	simm.s32 $0x1BFF;
	s21 =	sshll.u32 s5, $0x1;
	s2 =	sadd.s32 s19, s18  }
0x9c: {  	s6 =	simm.s32 $0x0;
	s20 =	sshll.u32 s4, $0x1;
	s4 =	sadd.s32 s21, s2  }
0x9d: {  	[timem:s6], [sflag:s22] =	dma.local [hbm:s4], s20  }
0x9e: {  	_ =	swait.ge [sflag:s22], s20  }
0x9f: {  	s3 =	ssub.s32 $0x0, s20;
	[sflag:s22] =	ssyncset.done $0x0  }
0xa0: {  	[sflag:s22] =	ssyncadd.s32 s3;
	_ =	sdelay $0x1  }
0xa1: {  	s23 =	simm.s32 $0x1B8B  }
0xa2: {  	_ =	swait.ge [sflag:s23], $0x1  }
0xa3: {  	[sflag:s23] =	ssyncset.done $0x0  }
0xa4: {  	s25 =	simm.s32 $0x1B8E;
	s24 =	sld [smem:$0x3FFE];
	[sflag:s23] =	ssyncadd.s32 $0xFFFFFFFF  }
0xa5: {  	s26 =	simm.s32 $execute0_lowered;
	[smem:$0x3FD2] =	sst s25  }
0xa6: {  	s4 =	sshll.u32 s26, $0x1;
	_ =	strace $0x8000004C;
	[dreg:$0x1] =	wrdreg $0xFFFFFFFF  }
0xa7: {  	s28 =	simm.s32 $_size_execute0_lowered;
	s2 =	sadd.s32 s2, s4;
	[dreg:$0x0] =	wrdreg $0x0  }
0xa8: {  	s4 =	sshll.u32 s28, $0x1;
	[dreg:$0x2] =	wrdreg s2  }
0xa9: {  	[dreg:$0x3] =	wrdreg s4  }
0xaa: {  	[dreg:$0x4] =	wrdreg $0xC0  }
0xab: {  	_ =	task [dreg:s6], $0x5FFFF  }
0xac: {  	[dreg:$0x1] =	wrdreg $0xFFFFFFFF  }
0xad: {  	[dreg:$0x0] =	wrdreg $0x60  }
0xae: {  	[dreg:$0x2] =	wrdreg s24  }
0xaf: {  	[dreg:$0x3] =	wrdreg $0x90000  }
0xb0: {  	[dreg:$0x4] =	wrdreg $0x9  }
0xb1: {  	_ =	task.clear_ibuf [dreg:s6], $0x5FFFF;
	_ =	strace $0x9000004C  }
0xb2: {  	s29 =	simm.s32 $0x9;
	_ =	strace $0x8000004E  }
0xb3: {  	_ =	swait.ge [sflag:s29], $0x1  }
0xb4: {  	[sflag:s29] =	ssyncadd.s32 $0xFFFFFFFF  }
0xb5: {  	_ =	strace $0x9000004E  }
0xb6: {  	_ =	sfence  }
0xb7: {  	s30 =	sld [smem:$0x0];
	_ =	sdelay $0x2  }
0xb8: {  	s31 =	sshll.u32 s1, $0xD;
	s1 =	sshrl.u32 s1, $0x2  }
0xb9: {  	s3 =	sand.u32 $0x4000, s31;
	s1 =	sadd.s32 s1, s30  }
0xba: {  	s0 =	sor.u32 s3, s0;
	s1 =	sshll.u32 s1, $0x11  }
0xbb: {  	s0 =	sor.u32 s1, s0  }
0xbc: {  	s0 =	sadd.s32 $0x8F2B, s0  }
0xbd: {  	[sflag:s0] =	ssyncadd.remote.s32 $0x1  }
0xbe: {  	_ =	sfence.sel $0xFFFF  }
0xbf: {  	[dreg:$0x0] =	wrdreg $0xFFFFFFFF;
	(pc) =	sbr.abs _section_cstart, $3  }
0xc0: {  	[dreg:$0x1] =	wrdreg $0xFFFFFFFF  }
0xc1: {  	_ =	task.clear_ibuf [dreg:s6], $0x2FFFF;
	_ =	strace $0x9FFFFFFF  }
0xc2: {  	(tm) =	ssettm $0x7FFFFFFF  }
0xc3: {  	_ =	shalt  }
tec
execute0_lowered:
.L_overlay_start_1:
0x0: {  	(tag) =	ssettag $0x1  }
0x1: {  	s0 =	srdreg.scid;
	s6 =	rddreg [dreg:$0x0]  }
0x2: {  	s2 =	rddreg [dreg:$0x1];
	s3 =	simm.s32 $0x0;
	s14 =	simm.s32 $0x80  }
0x3: {  	s15 =	simm.s32 $0x5000;
	s5 =	sand.u32 $0x1, s0;
	s0 =	stileid.u32  }
0x4: {  	s16 =	simm.s32 $0x0;
	[smem:$0x7FF] =	sst s3;
	s8 =	smul.u32 $0x13C000, s5  }
0x5: {  	s4 =	sadd.s32 $0x1B200, s6;
	s1 =	sshll.u32 s5, $0x4;
	s9 =	smul.u32 $0x13C00, s0  }
0x6: {  	s26 =	ssub.s32 $0x2, s5;
	s28 =	smul.u32 $0x4F000, s0;
	s5 =	sadd.s32 $0x69600, s6  }
0x7: {  	s31 =	sshll.u32 s0, $0x6;
	s1 =	sor.u32 s0, s1;
	s29 =	sshrl.u32 s26, $0x1  }
0x8: {  	s7 =	smul.u32 $0x500, s1;
	s1 =	rddreg [dreg:$0x2];
	_ =	strace $0x8000004D  }
0x9: {  	s25 =	sadd.s32 s9, s8;
	s12 =	ssub.s32 s26, s29;
	s30 =	sshrl.u32 s28, $0x2  }
0xa: {  	s13 =	sadd.s32 s30, s2;
	s10 =	sadd.s32 s7, s6;
	s7 =	sshrl.u32 s25, $0x3  }
0xb: {  	s11 =	sadd.s32 s7, s6;
	s6 =	sor.u32 $0x1C01, s31;
	s7 =	sadd.s32 $0x7200, s10  }
0xc: {  	s8 =	sadd.s32 $0x11200, s10;
	s10 =	smax.u32 s12, $0x1;
	s12 =	simm.s32 $0x1  }
0xd: {  	s9 =	sadd.s32 $0x6BE00, s11;
	s11 =	sshrl.u32 s13, $0x3;
	s13 =	simm.s32 $0x2800  }
.LBB2_1:
0xe: {  	[spmem:s11], [sflag:s6] =	dma.local [hbm:s5], $0x2780  }
0xf: {  	_ =	swait.ge [sflag:s12], $0x2780  }
0x10: {  	[sflag:s12] =	ssyncset.done $0x0  }
0x11: {  	[sflag:s12] =	ssyncadd.s32 $0xFFFFD880  }
0x12: {  	[tilespmem:s3], [sflag:$0x1] =	stream.linear.gather [hbm4b:s7+s3], $0x2800, $0x38;
	[tilespmem:$0x1CC00] =	vst v63  }
0x13: {  	_ =	swait.ge [sflag:s12], $0x2800  }
0x14: {  	[sflag:s12] =	ssyncset.done $0x0  }
0x15: {  	[sflag:s12] =	ssyncadd.s32 $0xFFFFD800  }
0x16: {  	[tilespmem:s13], [sflag:$0x1] =	stream.linear.gather [hbm4b:s8+s3], $0x2800, $0x38;
	[tilespmem:$0x1CC00] =	vst v63  }
0x17: {  	_ =	swait.ge [sflag:s12], $0x2800  }
0x18: {  	[sflag:s12] =	ssyncset.done $0x0  }
0x19: {  	[sflag:s12] =	ssyncadd.s32 $0xFFFFD800  }
0x1a: {  	s17 =	simm.s32 $0x0;
	[bflag:$0x0] =	sbarrier.arrive $0xFFFF  }
0x1b: {  	[tilespmem:s15], [sflag:$0x1] =	stream.indirect.gather [hbm4b:s4+s14], $0x80, s17, s14, $0xb8;
	[tilespmem:$0x1CC00] =	vst v63  }
0x1c: {  	_ =	swait.ge [sflag:s12], $0x4000  }
0x1d: {  	[sflag:s12] =	ssyncset.done $0x0  }
0x1e: {  	s31 =	simm.s32 $0x2800;
	[sflag:s12] =	ssyncadd.s32 $0xFFFFC000  }
0x1f: {  	[spmem:s2] =	stream.indirect.scatter.add.f32 [tilespmem:s15], [sflag:$0x1], $0x80, s31, s14, $0xb8;
	[tilespmem:$0x1CC00] =	vst v63  }
0x20: {  	_ =	swait.ge [sflag:s12], $0x4000  }
0x21: {  	s18 =	simm.s32 $0x400;
	s17 =	simm.s32 $0x200;
	[sflag:s12] =	ssyncset.done $0x0  }
.LBB2_2:
0x22: {  	s19 =	sshra.s32 s17, $0x2  }
0x23: {  	[sflag:s12] =	ssyncadd.s32 $0xFFFFC000;
	s17 =	smov.u32 s18;
	s20 =	sadd.s32 $0x200, s18  }
0x24: {  	[tilespmem:s15], [sflag:$0x1] =	stream.indirect.gather [hbm4b:s4+s14], $0x80, s19, s14, $0xb8;
	[tilespmem:$0x1CC00] =	vst v63  }
0x25: {  	p0 =	sne.s32 s18, $0x9E00;
	_ =	swait.ge [sflag:s12], $0x4000  }
.Ltmp0:
0x26: {  	[sflag:s12] =	ssyncset.done $0x0;
	(pc) =	sbr.rel @p0 .LBB2_2-.Ltmp0, $4  }
0x27: {  	s18 =	sadd.s32 $0x2800, s19;
	[sflag:s12] =	ssyncadd.s32 $0xFFFFC000  }
0x28: {  	[spmem:s2] =	stream.indirect.scatter.add.f32 [tilespmem:s15], [sflag:$0x1], $0x80, s18, s14, $0xb8;
	[tilespmem:$0x1CC00] =	vst v63  }
0x29: {  	_ =	swait.ge [sflag:s12], $0x4000  }
0x2a: {  	s18 =	smov.u32 s20;
	[sflag:s12] =	ssyncset.done $0x0  }
0x2b: {  	s17 =	sshra.s32 s17, $0x2;
	[sflag:s12] =	ssyncadd.s32 $0xFFFFC000  }
0x2c: {  	[tilespmem:s15], [sflag:$0x1] =	stream.indirect.gather [hbm4b:s4+s14], $0x80, s17, s14, $0xb8;
	[tilespmem:$0x1CC00] =	vst v63  }
0x2d: {  	_ =	swait.ge [sflag:s12], $0x4000  }
0x2e: {  	[sflag:s12] =	ssyncset.done $0x0  }
0x2f: {  	s17 =	sadd.s32 $0x2800, s17;
	[sflag:s12] =	ssyncadd.s32 $0xFFFFC000  }
0x30: {  	[spmem:s2] =	stream.indirect.scatter.add.f32 [tilespmem:s15], [sflag:$0x1], $0x80, s17, s14, $0xb8;
	[tilespmem:$0x1CC00] =	vst v63  }
0x31: {  	_ =	swait.ge [sflag:s12], $0x4000  }
0x32: {  	s16 =	sadd.s32 $0x1, s16;
	[sflag:s12] =	ssyncset.done $0x0  }
0x33: {  	p0 =	sne.s32 s16, s10;
	[sflag:s12] =	ssyncadd.s32 $0xFFFFC000  }
.Ltmp1:
0x34: {  	[bflag:$0x0] =	sbarrier.arrive $0xFFFF;
	(pc) =	sbr.rel @p0 .LBB2_1-.Ltmp1, $4  }
0x35: {  	[hbm:s9], [sflag:s6] =	dma.local [spmem:s11], $0x2780  }
0x36: {  	_ =	swait.ge [sflag:s12], $0x2780  }
0x37: {  	[sflag:s12] =	ssyncset.done $0x0  }
0x38: {  	[sflag:s12] =	ssyncadd.s32 $0xFFFFD880  }
0x39: {  	_ =	sfence.sel $0x180000  }
0x3a: {  	[bflag:$0x0] =	sbarrier.arrive $0xFFFF  }
0x3b: {  	p0 =	sne.s32 s0, $0x0;
	_ =	strace $0x9000004D  }
0x3c: {  	s0 =	sadd.s32 @!p0 $0x100000, s1;
	[bflag:$0x2] =	sbarrier.arrive $0xFFFF  }
0x3d: {  	[sflag:s0] =	ssyncadd.tile.s32 @!p0 $0x1;
	_ =	shalt  }
.Lfunc_end2:
_tile_overlayer_lowered:
.L_overlay_start_2:
0x3e: {  	(tag) =	ssettag $0x2  }
0x3f: {  	s0 =	rddreg [dreg:$0x0];
	s2 =	stileid.u32  }
0x40: {  	s1 =	rddreg [dreg:$0x1];
	p0 =	sne.s32 s2, $0x0  }
0x41: {  	s3 =	rddreg [dreg:$0x2];
	[bflag:$0x3] =	sbarrier.arrive $0xFFFF;
	s2 =	simm.s32 @!p0 $0x1C01  }
0x42: {  	[timem:s3], [sflag:s2] =	dma.local @!p0 [hbm:s0], s1  }
0x43: {  	s0 =	simm.s32 @!p0 $0x1  }
0x44: {  	_ =	swait.ge @!p0 [sflag:s0], s1  }
0x45: {  	s1 =	ssub.s32 @!p0 $0x0, s1;
	[sflag:s0] =	ssyncset.done @!p0 $0x0  }
0x46: {  	[sflag:s0] =	ssyncadd.s32 @!p0 s1  }
0x47: {  	[bflag:$0x3] =	sbarrier.arrive $0xFFFF  }
0x48: {  	_ =	shalt  }

// kernel: kernel.24.cloned.1.call-start
scs
__scs_entry_jumppad:
0x0: {  	(pc) =	sbr.rel $0x88, $3  }
0x1: {  	(tag) =	ssettag $0x0;
	lr =	simm.s32 $0x1  }
0x2: {  	[smem:$0x3F86] =	sst lr;
	_ =	strace $0xD0000000  }
0x3: {  	_ = 	snop  }
0x4: {  	_ = 	snop  }
0x5: {  	_ = 	snop  }
0x6: {  	_ = 	snop  }
0x7: {  	_ = 	snop  }
__scs_overlays_trampoline_lowered:
0x8: {  	[smem:$0x3F95] =	sst s0  }
0x9: {  	[smem:$0x3F96] =	sst s1  }
0xa: {  	[smem:$0x3F97] =	sst s2  }
0xb: {  	[smem:$0x3F98] =	sst s3  }
0xc: {  	[smem:$0x3F99] =	sst s4  }
0xd: {  	[smem:$0x3F9A] =	sst s5  }
0xe: {  	[smem:$0x3F9B] =	sst s6  }
0xf: {  	[smem:$0x3F9C] =	sst s7  }
0x10: {  	[smem:$0x3F9D] =	sst s8  }
0x11: {  	[smem:$0x3F9E] =	sst s9;
	s0 =	simm.s32 @!p0 $0x0  }
0x12: {  	s1 =	sld [smem:$0x3F84];
	s0 =	simm.s32 @p0 $0x1  }
0x13: {  	[smem:$0x3F9F] =	sst s0;
	s0 =	simm.s32 @!p1 $0x0  }
0x14: {  	s2 =	sld [smem:$0x3F83];
	s0 =	simm.s32 @p1 $0x1  }
0x15: {  	[smem:$0x3FA0] =	sst s0;
	s0 =	simm.s32 @!p2 $0x0  }
0x16: {  	s3 =	sld [smem:$0x3FDB];
	s0 =	simm.s32 @p2 $0x1  }
0x17: {  	s4 =	simm.s32 $0x1BF5;
	[smem:$0x3FA2] =	sst s0  }
0x18: {  	s0 =	sld [smem:$0x3F85];
	_ =	swait.ge [sflag:s4], $0x0  }
0x19: {  	s7 =	sld [smem:$0x3F86]  }
0x1a: {  	s8 =	sadd.s32 $0xFFFFE003, lr  }
0x1b: {  	s9 =	sadd.s32 $0xFFFFFEF7, lr;
	s5 =	simm.s32 $0xFFFFFFFF;
	p2 =	slt.u32 s8, $0xFFFFF086  }
0x1c: {  	p1 =	slt.u32 s9, $0xF7A;
	s5 =	simm.s32 @!p2 $0x0  }
0x1d: {  	s5 =	simm.s32 @p1 $0x1;
	p0 =	seq.s32 s7, s2  }
0x1e: {  	s7 =	smul.u32 @!p0 $0xF7A, s2;
	p2 =	seq.s32 @!p0 s5, $0x0  }
0x1f: {  	s9 =	smul.u32 $0xF7A, s1;
	s8 =	simm.s32 @!p0 $0x1BF5;
	p2 =	por !p2, p0  }
0x20: {  	[sflag:s8] =	ssyncset.s32 @!p0 $0xFFFFF086;
	s6 =	sadd.s32 @!p0 s3, s7;
	s7 =	simm.s32 @!p0 $0x108  }
0x21: {  	s3 =	sadd.s32 s3, s9;
	s6 =	sadd.s32 @!p0 $0x88, s6;
	s7 =	simm.s32 @p2 $0x1082  }
0x22: {  	[simem:s7], [sflag:s8] =	dma.local @!p0 [hbm:s6], $0xF7A  }
0x23: {  	s9 =	sor.u32 $0xD0000000, s2;
	s6 =	simm.s32 $0x108;
	_ =	swait.ge @!p0 [sflag:s8], $0x0  }
0x24: {  	s3 =	sadd.s32 $0x88, s3;
	s6 =	simm.s32 @!p1 $0x1082;
	[sflag:s4] =	ssyncset.s32 $0xFFFFF086  }
0x25: {  	[simem:s6], [sflag:s4] =	dma.local [hbm:s3], $0xF7A  }
0x26: {  	[smem:$0x3F86] =	sst s1;
	(tag) =	ssettag s2;
	_ =	strace s9  }
0x27: {  	s1 =	sld [smem:$0x3F96]  }
0x28: {  	s2 =	sld [smem:$0x3F97]  }
0x29: {  	s4 =	sld [smem:$0x3F99]  }
0x2a: {  	p0 =	seq.s32 s5, $0x0;
	s5 =	sld [smem:$0x3F9A]  }
0x2b: {  	s6 =	sld [smem:$0x3F9B]  }
0x2c: {  	s7 =	sld [smem:$0x3F9C]  }
0x2d: {  	s3 =	simm.s32 $0x108;
	s8 =	sld [smem:$0x3F9D]  }
0x2e: {  	s3 =	simm.s32 @!p0 $0x1082;
	s9 =	sld [smem:$0x3F9E]  }
0x2f: {  	lr =	sadd.s32 s0, s3;
	s0 =	sld [smem:$0x3F95]  }
0x30: {  	s3 =	sld [smem:$0x3F98]  }
0x31: {  	[smem:$0x3FA1] =	sst s10  }
0x32: {  	s10 =	sld [smem:$0x3F9F];
	_ =	sdelay $0x3  }
0x33: {  	p0 =	seq.s32 s10, $0x1;
	s10 =	sld [smem:$0x3FA1];
	_ =	sdelay $0x3  }
0x34: {  	[smem:$0x3FA1] =	sst s10  }
0x35: {  	s10 =	sld [smem:$0x3FA0];
	_ =	sdelay $0x3  }
0x36: {  	p1 =	seq.s32 s10, $0x1;
	s10 =	sld [smem:$0x3FA1];
	_ =	sdelay $0x3  }
0x37: {  	[smem:$0x3FA1] =	sst s10  }
0x38: {  	s10 =	sld [smem:$0x3FA2]  }
0x39: {  	_ = 	snop;
	(pc) =	sbr.ind lr, $3  }
0x3a: {  	_ = 	snop  }
0x3b: {  	_ = 	snop  }
0x3c: {  	p2 =	seq.s32 s10, $0x1;
	s10 =	sld [smem:$0x3FA1]  }
0x3d: {  	_ =	shalt  }
0x3e: {  	_ =	shalt  }
0x3f: {  	_ =	shalt  }
0x40: {  	_ =	shalt  }
0x41: {  	_ =	shalt  }
0x42: {  	_ =	shalt  }
0x43: {  	_ =	shalt  }
0x44: {  	_ =	shalt  }
0x45: {  	_ =	shalt  }
0x46: {  	_ =	shalt  }
0x47: {  	_ =	shalt  }
0x48: {  	_ =	shalt  }
0x49: {  	_ =	shalt  }
0x4a: {  	_ =	shalt  }
0x4b: {  	_ =	shalt  }
0x4c: {  	_ =	shalt  }
0x4d: {  	_ =	shalt  }
0x4e: {  	_ =	shalt  }
0x4f: {  	_ =	shalt  }
0x50: {  	_ =	shalt  }
0x51: {  	_ =	shalt  }
0x52: {  	_ =	shalt  }
0x53: {  	_ =	shalt  }
0x54: {  	_ =	shalt  }
0x55: {  	_ =	shalt  }
0x56: {  	_ =	shalt  }
0x57: {  	_ =	shalt  }
0x58: {  	_ =	shalt  }
0x59: {  	_ =	shalt  }
0x5a: {  	_ =	shalt  }
0x5b: {  	_ =	shalt  }
0x5c: {  	_ =	shalt  }
0x5d: {  	_ =	shalt  }
0x5e: {  	_ =	shalt  }
0x5f: {  	_ =	shalt  }
0x60: {  	_ =	shalt  }
0x61: {  	_ =	shalt  }
0x62: {  	_ =	shalt  }
0x63: {  	_ =	shalt  }
0x64: {  	_ =	shalt  }
0x65: {  	_ =	shalt  }
0x66: {  	_ =	shalt  }
0x67: {  	_ =	shalt  }
0x68: {  	_ =	shalt  }
0x69: {  	_ =	shalt  }
0x6a: {  	_ =	shalt  }
0x6b: {  	_ =	shalt  }
0x6c: {  	_ =	shalt  }
0x6d: {  	_ =	shalt  }
0x6e: {  	_ =	shalt  }
0x6f: {  	_ =	shalt  }
0x70: {  	_ =	shalt  }
0x71: {  	_ =	shalt  }
0x72: {  	_ =	shalt  }
0x73: {  	_ =	shalt  }
0x74: {  	_ =	shalt  }
0x75: {  	_ =	shalt  }
0x76: {  	_ =	shalt  }
0x77: {  	_ =	shalt  }
0x78: {  	_ =	shalt  }
0x79: {  	_ =	shalt  }
0x7a: {  	_ =	shalt  }
0x7b: {  	_ =	shalt  }
0x7c: {  	_ =	shalt  }
0x7d: {  	_ =	shalt  }
0x7e: {  	_ =	shalt  }
0x7f: {  	_ =	shalt  }
0x80: {  	_ =	shalt  }
0x81: {  	_ =	shalt  }
0x82: {  	_ =	shalt  }
0x83: {  	_ =	shalt  }
0x84: {  	_ =	shalt  }
0x85: {  	_ =	shalt  }
0x86: {  	_ =	shalt  }
0x87: {  	_ =	shalt  }
.Lfunc_end0:
.L_simem_size_0:
called_computation.3_lowered:
.L_overlay_start_0:
0x88: {  	s2 =	sld [smem:$0x3FD9]  }
0x89: {  	s3 =	sld [smem:$0x3FFE];
	_ =	sdelay $0x1  }
0x8a: {  	s1 =	srdreg.scid  }
0x8b: {  	s0 =	sand.u32 $0x1, s1  }
0x8c: {  	s16 =	sshll.u32 s0, $0xA;
	s2 =	sadd.s32 s3, s2  }
0x8d: {  	s2 =	sadd.s32 s2, s16  }
0x8e: {  	[smem:$0x3FAD] =	sst s2  }
0x8f: {  	_ = 	snop  }
0x90: {  	(tm) =	ssettm $0x1  }
0x91: {  	s17 =	sld [smem:$0x3FFB];
	_ =	sdelay $0x3  }
0x92: {  	_ =	strace s17  }
0x93: {  	s2 =	sld [smem:$0x3FFC];
	_ =	sdelay $0x3  }
0x94: {  	_ =	strace s2  }
0x95: {  	s2 =	sld [smem:$0x3FFD];
	_ =	sdelay $0x3  }
0x96: {  	_ =	strace s2  }
0x97: {  	_ =	strace $0x8FFFFFFF  }
0x98: {  	s18 =	sld [smem:$0x3FDB];
	_ =	sdelay $0x1  }
0x99: {  	s19 =	simm.s32 $_scs_section_size  }
0x9a: {  	s4 =	simm.s32 $_size__tile_overlayer_lowered;
	s5 =	simm.s32 $_tile_overlayer_lowered  }
0x9b: {  	s22 =	simm.s32 $0x1BFF;
	s21 =	sshll.u32 s5, $0x1;
	s2 =	sadd.s32 s19, s18  }
0x9c: {  	s6 =	simm.s32 $0x0;
	s20 =	sshll.u32 s4, $0x1;
	s4 =	sadd.s32 s21, s2  }
0x9d: {  	[timem:s6], [sflag:s22] =	dma.local [hbm:s4], s20  }
0x9e: {  	_ =	swait.ge [sflag:s22], s20  }
0x9f: {  	s3 =	ssub.s32 $0x0, s20;
	[sflag:s22] =	ssyncset.done $0x0  }
0xa0: {  	[sflag:s22] =	ssyncadd.s32 s3;
	_ =	sdelay $0x1  }
0xa1: {  	s23 =	simm.s32 $0x1B8B  }
0xa2: {  	_ =	swait.ge [sflag:s23], $0x1  }
0xa3: {  	[sflag:s23] =	ssyncset.done $0x0  }
0xa4: {  	s25 =	simm.s32 $0x1B8E;
	s24 =	sld [smem:$0x3FFE];
	[sflag:s23] =	ssyncadd.s32 $0xFFFFFFFF  }
0xa5: {  	s26 =	simm.s32 $execute0_lowered;
	[smem:$0x3FD2] =	sst s25  }
0xa6: {  	s4 =	sshll.u32 s26, $0x1;
	_ =	strace $0x8000004F;
	[dreg:$0x1] =	wrdreg $0xFFFFFFFF  }
0xa7: {  	s28 =	simm.s32 $_size_execute0_lowered;
	s2 =	sadd.s32 s2, s4;
	[dreg:$0x0] =	wrdreg $0x0  }
0xa8: {  	s4 =	sshll.u32 s28, $0x1;
	[dreg:$0x2] =	wrdreg s2  }
0xa9: {  	[dreg:$0x3] =	wrdreg s4  }
0xaa: {  	[dreg:$0x4] =	wrdreg $0xC0  }
0xab: {  	_ =	task [dreg:s6], $0x5FFFF  }
0xac: {  	[dreg:$0x1] =	wrdreg $0xFFFFFFFF  }
0xad: {  	[dreg:$0x0] =	wrdreg $0x60  }
0xae: {  	[dreg:$0x2] =	wrdreg s24  }
0xaf: {  	[dreg:$0x3] =	wrdreg $0x90000  }
0xb0: {  	[dreg:$0x4] =	wrdreg $0x9  }
0xb1: {  	_ =	task.clear_ibuf [dreg:s6], $0x5FFFF;
	_ =	strace $0x9000004F  }
0xb2: {  	s29 =	simm.s32 $0x9;
	_ =	strace $0x80000051  }
0xb3: {  	_ =	swait.ge [sflag:s29], $0x1  }
0xb4: {  	[sflag:s29] =	ssyncadd.s32 $0xFFFFFFFF  }
0xb5: {  	_ =	strace $0x90000051  }
0xb6: {  	_ =	sfence  }
0xb7: {  	s30 =	sld [smem:$0x0];
	_ =	sdelay $0x2  }
0xb8: {  	s31 =	sshll.u32 s1, $0xD;
	s1 =	sshrl.u32 s1, $0x2  }
0xb9: {  	s3 =	sand.u32 $0x4000, s31;
	s1 =	sadd.s32 s1, s30  }
0xba: {  	s0 =	sor.u32 s3, s0;
	s1 =	sshll.u32 s1, $0x11  }
0xbb: {  	s0 =	sor.u32 s1, s0  }
0xbc: {  	s0 =	sadd.s32 $0x8F2B, s0  }
0xbd: {  	[sflag:s0] =	ssyncadd.remote.s32 $0x1  }
0xbe: {  	_ =	sfence.sel $0xFFFF  }
0xbf: {  	[dreg:$0x0] =	wrdreg $0xFFFFFFFF;
	(pc) =	sbr.abs _section_cstart, $3  }
0xc0: {  	[dreg:$0x1] =	wrdreg $0xFFFFFFFF  }
0xc1: {  	_ =	task.clear_ibuf [dreg:s6], $0x2FFFF;
	_ =	strace $0x9FFFFFFF  }
0xc2: {  	(tm) =	ssettm $0x7FFFFFFF  }
0xc3: {  	_ =	shalt  }
tec
execute0_lowered:
.L_overlay_start_1:
0x0: {  	(tag) =	ssettag $0x1  }
0x1: {  	s0 =	srdreg.scid;
	s6 =	rddreg [dreg:$0x0]  }
0x2: {  	s2 =	rddreg [dreg:$0x1];
	s3 =	simm.s32 $0x0;
	s14 =	simm.s32 $0x80  }
0x3: {  	s15 =	simm.s32 $0x5000;
	s5 =	sand.u32 $0x1, s0;
	s0 =	stileid.u32  }
0x4: {  	s16 =	simm.s32 $0x0;
	[smem:$0x7FF] =	sst s3;
	s8 =	smul.u32 $0x13C000, s5  }
0x5: {  	s4 =	sadd.s32 $0x1B200, s6;
	s1 =	sshll.u32 s5, $0x4;
	s9 =	smul.u32 $0x13C00, s0  }
0x6: {  	s26 =	ssub.s32 $0x2, s5;
	s28 =	smul.u32 $0x4F000, s0;
	s5 =	sadd.s32 $0x69600, s6  }
0x7: {  	s31 =	sshll.u32 s0, $0x6;
	s1 =	sor.u32 s0, s1;
	s29 =	sshrl.u32 s26, $0x1  }
0x8: {  	s7 =	smul.u32 $0x500, s1;
	s1 =	rddreg [dreg:$0x2];
	_ =	strace $0x80000050  }
0x9: {  	s25 =	sadd.s32 s9, s8;
	s12 =	ssub.s32 s26, s29;
	s30 =	sshrl.u32 s28, $0x2  }
0xa: {  	s13 =	sadd.s32 s30, s2;
	s10 =	sadd.s32 s7, s6;
	s7 =	sshrl.u32 s25, $0x3  }
0xb: {  	s11 =	sadd.s32 s7, s6;
	s6 =	sor.u32 $0x1C01, s31;
	s7 =	sadd.s32 $0x7200, s10  }
0xc: {  	s8 =	sadd.s32 $0x11200, s10;
	s10 =	smax.u32 s12, $0x1;
	s12 =	simm.s32 $0x1  }
0xd: {  	s9 =	sadd.s32 $0x6BE00, s11;
	s11 =	sshrl.u32 s13, $0x3;
	s13 =	simm.s32 $0x2800  }
.LBB2_1:
0xe: {  	[spmem:s11], [sflag:s6] =	dma.local [hbm:s5], $0x2780  }
0xf: {  	_ =	swait.ge [sflag:s12], $0x2780  }
0x10: {  	[sflag:s12] =	ssyncset.done $0x0  }
0x11: {  	[sflag:s12] =	ssyncadd.s32 $0xFFFFD880  }
0x12: {  	[tilespmem:s3], [sflag:$0x1] =	stream.linear.gather [hbm4b:s7+s3], $0x2800, $0x38;
	[tilespmem:$0x1CC00] =	vst v63  }
0x13: {  	_ =	swait.ge [sflag:s12], $0x2800  }
0x14: {  	[sflag:s12] =	ssyncset.done $0x0  }
0x15: {  	[sflag:s12] =	ssyncadd.s32 $0xFFFFD800  }
0x16: {  	[tilespmem:s13], [sflag:$0x1] =	stream.linear.gather [hbm4b:s8+s3], $0x2800, $0x38;
	[tilespmem:$0x1CC00] =	vst v63  }
0x17: {  	_ =	swait.ge [sflag:s12], $0x2800  }
0x18: {  	[sflag:s12] =	ssyncset.done $0x0  }
0x19: {  	[sflag:s12] =	ssyncadd.s32 $0xFFFFD800  }
0x1a: {  	s17 =	simm.s32 $0x0;
	[bflag:$0x0] =	sbarrier.arrive $0xFFFF  }
0x1b: {  	[tilespmem:s15], [sflag:$0x1] =	stream.indirect.gather [hbm4b:s4+s14], $0x80, s17, s14, $0xb8;
	[tilespmem:$0x1CC00] =	vst v63  }
0x1c: {  	_ =	swait.ge [sflag:s12], $0x4000  }
0x1d: {  	[sflag:s12] =	ssyncset.done $0x0  }
0x1e: {  	s31 =	simm.s32 $0x2800;
	[sflag:s12] =	ssyncadd.s32 $0xFFFFC000  }
0x1f: {  	[spmem:s2] =	stream.indirect.scatter.add.f32 [tilespmem:s15], [sflag:$0x1], $0x80, s31, s14, $0xb8;
	[tilespmem:$0x1CC00] =	vst v63  }
0x20: {  	_ =	swait.ge [sflag:s12], $0x4000  }
0x21: {  	s18 =	simm.s32 $0x400;
	s17 =	simm.s32 $0x200;
	[sflag:s12] =	ssyncset.done $0x0  }
.LBB2_2:
0x22: {  	s19 =	sshra.s32 s17, $0x2  }
0x23: {  	[sflag:s12] =	ssyncadd.s32 $0xFFFFC000;
	s17 =	smov.u32 s18;
	s20 =	sadd.s32 $0x200, s18  }
0x24: {  	[tilespmem:s15], [sflag:$0x1] =	stream.indirect.gather [hbm4b:s4+s14], $0x80, s19, s14, $0xb8;
	[tilespmem:$0x1CC00] =	vst v63  }
0x25: {  	p0 =	sne.s32 s18, $0x9E00;
	_ =	swait.ge [sflag:s12], $0x4000  }
.Ltmp0:
0x26: {  	[sflag:s12] =	ssyncset.done $0x0;
	(pc) =	sbr.rel @p0 .LBB2_2-.Ltmp0, $4  }
0x27: {  	s18 =	sadd.s32 $0x2800, s19;
	[sflag:s12] =	ssyncadd.s32 $0xFFFFC000  }
0x28: {  	[spmem:s2] =	stream.indirect.scatter.add.f32 [tilespmem:s15], [sflag:$0x1], $0x80, s18, s14, $0xb8;
	[tilespmem:$0x1CC00] =	vst v63  }
0x29: {  	_ =	swait.ge [sflag:s12], $0x4000  }
0x2a: {  	s18 =	smov.u32 s20;
	[sflag:s12] =	ssyncset.done $0x0  }
0x2b: {  	s17 =	sshra.s32 s17, $0x2;
	[sflag:s12] =	ssyncadd.s32 $0xFFFFC000  }
0x2c: {  	[tilespmem:s15], [sflag:$0x1] =	stream.indirect.gather [hbm4b:s4+s14], $0x80, s17, s14, $0xb8;
	[tilespmem:$0x1CC00] =	vst v63  }
0x2d: {  	_ =	swait.ge [sflag:s12], $0x4000  }
0x2e: {  	[sflag:s12] =	ssyncset.done $0x0  }
0x2f: {  	s17 =	sadd.s32 $0x2800, s17;
	[sflag:s12] =	ssyncadd.s32 $0xFFFFC000  }
0x30: {  	[spmem:s2] =	stream.indirect.scatter.add.f32 [tilespmem:s15], [sflag:$0x1], $0x80, s17, s14, $0xb8;
	[tilespmem:$0x1CC00] =	vst v63  }
0x31: {  	_ =	swait.ge [sflag:s12], $0x4000  }
0x32: {  	s16 =	sadd.s32 $0x1, s16;
	[sflag:s12] =	ssyncset.done $0x0  }
0x33: {  	p0 =	sne.s32 s16, s10;
	[sflag:s12] =	ssyncadd.s32 $0xFFFFC000  }
.Ltmp1:
0x34: {  	[bflag:$0x0] =	sbarrier.arrive $0xFFFF;
	(pc) =	sbr.rel @p0 .LBB2_1-.Ltmp1, $4  }
0x35: {  	[hbm:s9], [sflag:s6] =	dma.local [spmem:s11], $0x2780  }
0x36: {  	_ =	swait.ge [sflag:s12], $0x2780  }
0x37: {  	[sflag:s12] =	ssyncset.done $0x0  }
0x38: {  	[sflag:s12] =	ssyncadd.s32 $0xFFFFD880  }
0x39: {  	_ =	sfence.sel $0x180000  }
0x3a: {  	[bflag:$0x0] =	sbarrier.arrive $0xFFFF  }
0x3b: {  	p0 =	sne.s32 s0, $0x0;
	_ =	strace $0x90000050  }
0x3c: {  	s0 =	sadd.s32 @!p0 $0x100000, s1;
	[bflag:$0x2] =	sbarrier.arrive $0xFFFF  }
0x3d: {  	[sflag:s0] =	ssyncadd.tile.s32 @!p0 $0x1;
	_ =	shalt  }
.Lfunc_end2:
_tile_overlayer_lowered:
.L_overlay_start_2:
0x3e: {  	(tag) =	ssettag $0x2  }
0x3f: {  	s0 =	rddreg [dreg:$0x0];
	s2 =	stileid.u32  }
0x40: {  	s1 =	rddreg [dreg:$0x1];
	p0 =	sne.s32 s2, $0x0  }
0x41: {  	s3 =	rddreg [dreg:$0x2];
	[bflag:$0x3] =	sbarrier.arrive $0xFFFF;
	s2 =	simm.s32 @!p0 $0x1C01  }
0x42: {  	[timem:s3], [sflag:s2] =	dma.local @!p0 [hbm:s0], s1  }
0x43: {  	s0 =	simm.s32 @!p0 $0x1  }
0x44: {  	_ =	swait.ge @!p0 [sflag:s0], s1  }
0x45: {  	s1 =	ssub.s32 @!p0 $0x0, s1;
	[sflag:s0] =	ssyncset.done @!p0 $0x0  }
0x46: {  	[sflag:s0] =	ssyncadd.s32 @!p0 s1  }
0x47: {  	[bflag:$0x3] =	sbarrier.arrive $0xFFFF  }
0x48: {  	_ =	shalt  }

// kernel: kernel.27.cloned.1.call-start
scs
__scs_entry_jumppad:
0x0: {  	(pc) =	sbr.rel $0x88, $3  }
0x1: {  	(tag) =	ssettag $0x0;
	lr =	simm.s32 $0x1  }
0x2: {  	[smem:$0x3F86] =	sst lr;
	_ =	strace $0xD0000000  }
0x3: {  	_ = 	snop  }
0x4: {  	_ = 	snop  }
0x5: {  	_ = 	snop  }
0x6: {  	_ = 	snop  }
0x7: {  	_ = 	snop  }
__scs_overlays_trampoline_lowered:
0x8: {  	[smem:$0x3F95] =	sst s0  }
0x9: {  	[smem:$0x3F96] =	sst s1  }
0xa: {  	[smem:$0x3F97] =	sst s2  }
0xb: {  	[smem:$0x3F98] =	sst s3  }
0xc: {  	[smem:$0x3F99] =	sst s4  }
0xd: {  	[smem:$0x3F9A] =	sst s5  }
0xe: {  	[smem:$0x3F9B] =	sst s6  }
0xf: {  	[smem:$0x3F9C] =	sst s7  }
0x10: {  	[smem:$0x3F9D] =	sst s8  }
0x11: {  	[smem:$0x3F9E] =	sst s9;
	s0 =	simm.s32 @!p0 $0x0  }
0x12: {  	s1 =	sld [smem:$0x3F84];
	s0 =	simm.s32 @p0 $0x1  }
0x13: {  	[smem:$0x3F9F] =	sst s0;
	s0 =	simm.s32 @!p1 $0x0  }
0x14: {  	s2 =	sld [smem:$0x3F83];
	s0 =	simm.s32 @p1 $0x1  }
0x15: {  	[smem:$0x3FA0] =	sst s0;
	s0 =	simm.s32 @!p2 $0x0  }
0x16: {  	s3 =	sld [smem:$0x3FDB];
	s0 =	simm.s32 @p2 $0x1  }
0x17: {  	s4 =	simm.s32 $0x1BF5;
	[smem:$0x3FA2] =	sst s0  }
0x18: {  	s0 =	sld [smem:$0x3F85];
	_ =	swait.ge [sflag:s4], $0x0  }
0x19: {  	s7 =	sld [smem:$0x3F86]  }
0x1a: {  	s8 =	sadd.s32 $0xFFFFE003, lr  }
0x1b: {  	s9 =	sadd.s32 $0xFFFFFEF7, lr;
	s5 =	simm.s32 $0xFFFFFFFF;
	p2 =	slt.u32 s8, $0xFFFFF086  }
0x1c: {  	p1 =	slt.u32 s9, $0xF7A;
	s5 =	simm.s32 @!p2 $0x0  }
0x1d: {  	s5 =	simm.s32 @p1 $0x1;
	p0 =	seq.s32 s7, s2  }
0x1e: {  	s7 =	smul.u32 @!p0 $0xF7A, s2;
	p2 =	seq.s32 @!p0 s5, $0x0  }
0x1f: {  	s9 =	smul.u32 $0xF7A, s1;
	s8 =	simm.s32 @!p0 $0x1BF5;
	p2 =	por !p2, p0  }
0x20: {  	[sflag:s8] =	ssyncset.s32 @!p0 $0xFFFFF086;
	s6 =	sadd.s32 @!p0 s3, s7;
	s7 =	simm.s32 @!p0 $0x108  }
0x21: {  	s3 =	sadd.s32 s3, s9;
	s6 =	sadd.s32 @!p0 $0x88, s6;
	s7 =	simm.s32 @p2 $0x1082  }
0x22: {  	[simem:s7], [sflag:s8] =	dma.local @!p0 [hbm:s6], $0xF7A  }
0x23: {  	s9 =	sor.u32 $0xD0000000, s2;
	s6 =	simm.s32 $0x108;
	_ =	swait.ge @!p0 [sflag:s8], $0x0  }
0x24: {  	s3 =	sadd.s32 $0x88, s3;
	s6 =	simm.s32 @!p1 $0x1082;
	[sflag:s4] =	ssyncset.s32 $0xFFFFF086  }
0x25: {  	[simem:s6], [sflag:s4] =	dma.local [hbm:s3], $0xF7A  }
0x26: {  	[smem:$0x3F86] =	sst s1;
	(tag) =	ssettag s2;
	_ =	strace s9  }
0x27: {  	s1 =	sld [smem:$0x3F96]  }
0x28: {  	s2 =	sld [smem:$0x3F97]  }
0x29: {  	s4 =	sld [smem:$0x3F99]  }
0x2a: {  	p0 =	seq.s32 s5, $0x0;
	s5 =	sld [smem:$0x3F9A]  }
0x2b: {  	s6 =	sld [smem:$0x3F9B]  }
0x2c: {  	s7 =	sld [smem:$0x3F9C]  }
0x2d: {  	s3 =	simm.s32 $0x108;
	s8 =	sld [smem:$0x3F9D]  }
0x2e: {  	s3 =	simm.s32 @!p0 $0x1082;
	s9 =	sld [smem:$0x3F9E]  }
0x2f: {  	lr =	sadd.s32 s0, s3;
	s0 =	sld [smem:$0x3F95]  }
0x30: {  	s3 =	sld [smem:$0x3F98]  }
0x31: {  	[smem:$0x3FA1] =	sst s10  }
0x32: {  	s10 =	sld [smem:$0x3F9F];
	_ =	sdelay $0x3  }
0x33: {  	p0 =	seq.s32 s10, $0x1;
	s10 =	sld [smem:$0x3FA1];
	_ =	sdelay $0x3  }
0x34: {  	[smem:$0x3FA1] =	sst s10  }
0x35: {  	s10 =	sld [smem:$0x3FA0];
	_ =	sdelay $0x3  }
0x36: {  	p1 =	seq.s32 s10, $0x1;
	s10 =	sld [smem:$0x3FA1];
	_ =	sdelay $0x3  }
0x37: {  	[smem:$0x3FA1] =	sst s10  }
0x38: {  	s10 =	sld [smem:$0x3FA2]  }
0x39: {  	_ = 	snop;
	(pc) =	sbr.ind lr, $3  }
0x3a: {  	_ = 	snop  }
0x3b: {  	_ = 	snop  }
0x3c: {  	p2 =	seq.s32 s10, $0x1;
	s10 =	sld [smem:$0x3FA1]  }
0x3d: {  	_ =	shalt  }
0x3e: {  	_ =	shalt  }
0x3f: {  	_ =	shalt  }
0x40: {  	_ =	shalt  }
0x41: {  	_ =	shalt  }
0x42: {  	_ =	shalt  }
0x43: {  	_ =	shalt  }
0x44: {  	_ =	shalt  }
0x45: {  	_ =	shalt  }
0x46: {  	_ =	shalt  }
0x47: {  	_ =	shalt  }
0x48: {  	_ =	shalt  }
0x49: {  	_ =	shalt  }
0x4a: {  	_ =	shalt  }
0x4b: {  	_ =	shalt  }
0x4c: {  	_ =	shalt  }
0x4d: {  	_ =	shalt  }
0x4e: {  	_ =	shalt  }
0x4f: {  	_ =	shalt  }
0x50: {  	_ =	shalt  }
0x51: {  	_ =	shalt  }
0x52: {  	_ =	shalt  }
0x53: {  	_ =	shalt  }
0x54: {  	_ =	shalt  }
0x55: {  	_ =	shalt  }
0x56: {  	_ =	shalt  }
0x57: {  	_ =	shalt  }
0x58: {  	_ =	shalt  }
0x59: {  	_ =	shalt  }
0x5a: {  	_ =	shalt  }
0x5b: {  	_ =	shalt  }
0x5c: {  	_ =	shalt  }
0x5d: {  	_ =	shalt  }
0x5e: {  	_ =	shalt  }
0x5f: {  	_ =	shalt  }
0x60: {  	_ =	shalt  }
0x61: {  	_ =	shalt  }
0x62: {  	_ =	shalt  }
0x63: {  	_ =	shalt  }
0x64: {  	_ =	shalt  }
0x65: {  	_ =	shalt  }
0x66: {  	_ =	shalt  }
0x67: {  	_ =	shalt  }
0x68: {  	_ =	shalt  }
0x69: {  	_ =	shalt  }
0x6a: {  	_ =	shalt  }
0x6b: {  	_ =	shalt  }
0x6c: {  	_ =	shalt  }
0x6d: {  	_ =	shalt  }
0x6e: {  	_ =	shalt  }
0x6f: {  	_ =	shalt  }
0x70: {  	_ =	shalt  }
0x71: {  	_ =	shalt  }
0x72: {  	_ =	shalt  }
0x73: {  	_ =	shalt  }
0x74: {  	_ =	shalt  }
0x75: {  	_ =	shalt  }
0x76: {  	_ =	shalt  }
0x77: {  	_ =	shalt  }
0x78: {  	_ =	shalt  }
0x79: {  	_ =	shalt  }
0x7a: {  	_ =	shalt  }
0x7b: {  	_ =	shalt  }
0x7c: {  	_ =	shalt  }
0x7d: {  	_ =	shalt  }
0x7e: {  	_ =	shalt  }
0x7f: {  	_ =	shalt  }
0x80: {  	_ =	shalt  }
0x81: {  	_ =	shalt  }
0x82: {  	_ =	shalt  }
0x83: {  	_ =	shalt  }
0x84: {  	_ =	shalt  }
0x85: {  	_ =	shalt  }
0x86: {  	_ =	shalt  }
0x87: {  	_ =	shalt  }
.Lfunc_end0:
.L_simem_size_0:
called_computation.4_lowered:
.L_overlay_start_0:
0x88: {  	s2 =	sld [smem:$0x3FD9]  }
0x89: {  	s3 =	sld [smem:$0x3FFE];
	_ =	sdelay $0x1  }
0x8a: {  	s1 =	srdreg.scid  }
0x8b: {  	s0 =	sand.u32 $0x1, s1  }
0x8c: {  	s16 =	sshll.u32 s0, $0xA;
	s2 =	sadd.s32 s3, s2  }
0x8d: {  	s2 =	sadd.s32 s2, s16  }
0x8e: {  	[smem:$0x3FAD] =	sst s2  }
0x8f: {  	_ = 	snop  }
0x90: {  	(tm) =	ssettm $0x1  }
0x91: {  	s17 =	sld [smem:$0x3FFB];
	_ =	sdelay $0x3  }
0x92: {  	_ =	strace s17  }
0x93: {  	s2 =	sld [smem:$0x3FFC];
	_ =	sdelay $0x3  }
0x94: {  	_ =	strace s2  }
0x95: {  	s2 =	sld [smem:$0x3FFD];
	_ =	sdelay $0x3  }
0x96: {  	_ =	strace s2  }
0x97: {  	_ =	strace $0x8FFFFFFF  }
0x98: {  	s18 =	sld [smem:$0x3FDB];
	_ =	sdelay $0x1  }
0x99: {  	s19 =	simm.s32 $_scs_section_size  }
0x9a: {  	s4 =	simm.s32 $_size__tile_overlayer_lowered;
	s5 =	simm.s32 $_tile_overlayer_lowered  }
0x9b: {  	s22 =	simm.s32 $0x1BFF;
	s21 =	sshll.u32 s5, $0x1;
	s2 =	sadd.s32 s19, s18  }
0x9c: {  	s6 =	simm.s32 $0x0;
	s20 =	sshll.u32 s4, $0x1;
	s4 =	sadd.s32 s21, s2  }
0x9d: {  	[timem:s6], [sflag:s22] =	dma.local [hbm:s4], s20  }
0x9e: {  	_ =	swait.ge [sflag:s22], s20  }
0x9f: {  	s3 =	ssub.s32 $0x0, s20;
	[sflag:s22] =	ssyncset.done $0x0  }
0xa0: {  	[sflag:s22] =	ssyncadd.s32 s3;
	_ =	sdelay $0x1  }
0xa1: {  	s23 =	simm.s32 $0x1B8B  }
0xa2: {  	_ =	swait.ge [sflag:s23], $0x1  }
0xa3: {  	[sflag:s23] =	ssyncset.done $0x0  }
0xa4: {  	s25 =	simm.s32 $0x1B8E;
	s24 =	sld [smem:$0x3FFE];
	[sflag:s23] =	ssyncadd.s32 $0xFFFFFFFF  }
0xa5: {  	s26 =	simm.s32 $execute0_lowered;
	[smem:$0x3FD2] =	sst s25  }
0xa6: {  	s4 =	sshll.u32 s26, $0x1;
	_ =	strace $0x80000052;
	[dreg:$0x1] =	wrdreg $0xFFFFFFFF  }
0xa7: {  	s28 =	simm.s32 $_size_execute0_lowered;
	s2 =	sadd.s32 s2, s4;
	[dreg:$0x0] =	wrdreg $0x0  }
0xa8: {  	s4 =	sshll.u32 s28, $0x1;
	[dreg:$0x2] =	wrdreg s2  }
0xa9: {  	[dreg:$0x3] =	wrdreg s4  }
0xaa: {  	[dreg:$0x4] =	wrdreg $0xC0  }
0xab: {  	_ =	task [dreg:s6], $0x5FFFF  }
0xac: {  	[dreg:$0x1] =	wrdreg $0xFFFFFFFF  }
0xad: {  	[dreg:$0x0] =	wrdreg $0x60  }
0xae: {  	[dreg:$0x2] =	wrdreg s24  }
0xaf: {  	[dreg:$0x3] =	wrdreg $0x90000  }
0xb0: {  	[dreg:$0x4] =	wrdreg $0x9  }
0xb1: {  	_ =	task.clear_ibuf [dreg:s6], $0x5FFFF;
	_ =	strace $0x90000052  }
0xb2: {  	s29 =	simm.s32 $0x9;
	_ =	strace $0x80000054  }
0xb3: {  	_ =	swait.ge [sflag:s29], $0x1  }
0xb4: {  	[sflag:s29] =	ssyncadd.s32 $0xFFFFFFFF  }
0xb5: {  	_ =	strace $0x90000054  }
0xb6: {  	_ =	sfence  }
0xb7: {  	s30 =	sld [smem:$0x0];
	_ =	sdelay $0x2  }
0xb8: {  	s31 =	sshll.u32 s1, $0xD;
	s1 =	sshrl.u32 s1, $0x2  }
0xb9: {  	s3 =	sand.u32 $0x4000, s31;
	s1 =	sadd.s32 s1, s30  }
0xba: {  	s0 =	sor.u32 s3, s0;
	s1 =	sshll.u32 s1, $0x11  }
0xbb: {  	s0 =	sor.u32 s1, s0  }
0xbc: {  	s0 =	sadd.s32 $0x8F2B, s0  }
0xbd: {  	[sflag:s0] =	ssyncadd.remote.s32 $0x1  }
0xbe: {  	_ =	sfence.sel $0xFFFF  }
0xbf: {  	[dreg:$0x0] =	wrdreg $0xFFFFFFFF;
	(pc) =	sbr.abs _section_cstart, $3  }
0xc0: {  	[dreg:$0x1] =	wrdreg $0xFFFFFFFF  }
0xc1: {  	_ =	task.clear_ibuf [dreg:s6], $0x2FFFF;
	_ =	strace $0x9FFFFFFF  }
0xc2: {  	(tm) =	ssettm $0x7FFFFFFF  }
0xc3: {  	_ =	shalt  }
tec
execute0_lowered:
.L_overlay_start_1:
0x0: {  	(tag) =	ssettag $0x1  }
0x1: {  	s0 =	srdreg.scid;
	s6 =	rddreg [dreg:$0x0]  }
0x2: {  	s2 =	rddreg [dreg:$0x1];
	s3 =	simm.s32 $0x0;
	s14 =	simm.s32 $0x80  }
0x3: {  	s15 =	simm.s32 $0x5000;
	s5 =	sand.u32 $0x1, s0;
	s0 =	stileid.u32  }
0x4: {  	s16 =	simm.s32 $0x0;
	[smem:$0x7FF] =	sst s3;
	s8 =	smul.u32 $0x13C000, s5  }
0x5: {  	s4 =	sadd.s32 $0x1B200, s6;
	s1 =	sshll.u32 s5, $0x4;
	s9 =	smul.u32 $0x13C00, s0  }
0x6: {  	s26 =	ssub.s32 $0x2, s5;
	s28 =	smul.u32 $0x4F000, s0;
	s5 =	sadd.s32 $0x69600, s6  }
0x7: {  	s31 =	sshll.u32 s0, $0x6;
	s1 =	sor.u32 s0, s1;
	s29 =	sshrl.u32 s26, $0x1  }
0x8: {  	s7 =	smul.u32 $0x500, s1;
	s1 =	rddreg [dreg:$0x2];
	_ =	strace $0x80000053  }
0x9: {  	s25 =	sadd.s32 s9, s8;
	s12 =	ssub.s32 s26, s29;
	s30 =	sshrl.u32 s28, $0x2  }
0xa: {  	s13 =	sadd.s32 s30, s2;
	s10 =	sadd.s32 s7, s6;
	s7 =	sshrl.u32 s25, $0x3  }
0xb: {  	s11 =	sadd.s32 s7, s6;
	s6 =	sor.u32 $0x1C01, s31;
	s7 =	sadd.s32 $0x7200, s10  }
0xc: {  	s8 =	sadd.s32 $0x11200, s10;
	s10 =	smax.u32 s12, $0x1;
	s12 =	simm.s32 $0x1  }
0xd: {  	s9 =	sadd.s32 $0x6BE00, s11;
	s11 =	sshrl.u32 s13, $0x3;
	s13 =	simm.s32 $0x2800  }
.LBB2_1:
0xe: {  	[spmem:s11], [sflag:s6] =	dma.local [hbm:s5], $0x2780  }
0xf: {  	_ =	swait.ge [sflag:s12], $0x2780  }
0x10: {  	[sflag:s12] =	ssyncset.done $0x0  }
0x11: {  	[sflag:s12] =	ssyncadd.s32 $0xFFFFD880  }
0x12: {  	[tilespmem:s3], [sflag:$0x1] =	stream.linear.gather [hbm4b:s7+s3], $0x2800, $0x38;
	[tilespmem:$0x1CC00] =	vst v63  }
0x13: {  	_ =	swait.ge [sflag:s12], $0x2800  }
0x14: {  	[sflag:s12] =	ssyncset.done $0x0  }
0x15: {  	[sflag:s12] =	ssyncadd.s32 $0xFFFFD800  }
0x16: {  	[tilespmem:s13], [sflag:$0x1] =	stream.linear.gather [hbm4b:s8+s3], $0x2800, $0x38;
	[tilespmem:$0x1CC00] =	vst v63  }
0x17: {  	_ =	swait.ge [sflag:s12], $0x2800  }
0x18: {  	[sflag:s12] =	ssyncset.done $0x0  }
0x19: {  	[sflag:s12] =	ssyncadd.s32 $0xFFFFD800  }
0x1a: {  	s17 =	simm.s32 $0x0;
	[bflag:$0x0] =	sbarrier.arrive $0xFFFF  }
0x1b: {  	[tilespmem:s15], [sflag:$0x1] =	stream.indirect.gather [hbm4b:s4+s14], $0x80, s17, s14, $0xb8;
	[tilespmem:$0x1CC00] =	vst v63  }
0x1c: {  	_ =	swait.ge [sflag:s12], $0x4000  }
0x1d: {  	[sflag:s12] =	ssyncset.done $0x0  }
0x1e: {  	s31 =	simm.s32 $0x2800;
	[sflag:s12] =	ssyncadd.s32 $0xFFFFC000  }
0x1f: {  	[spmem:s2] =	stream.indirect.scatter.add.f32 [tilespmem:s15], [sflag:$0x1], $0x80, s31, s14, $0xb8;
	[tilespmem:$0x1CC00] =	vst v63  }
0x20: {  	_ =	swait.ge [sflag:s12], $0x4000  }
0x21: {  	s18 =	simm.s32 $0x400;
	s17 =	simm.s32 $0x200;
	[sflag:s12] =	ssyncset.done $0x0  }
.LBB2_2:
0x22: {  	s19 =	sshra.s32 s17, $0x2  }
0x23: {  	[sflag:s12] =	ssyncadd.s32 $0xFFFFC000;
	s17 =	smov.u32 s18;
	s20 =	sadd.s32 $0x200, s18  }
0x24: {  	[tilespmem:s15], [sflag:$0x1] =	stream.indirect.gather [hbm4b:s4+s14], $0x80, s19, s14, $0xb8;
	[tilespmem:$0x1CC00] =	vst v63  }
0x25: {  	p0 =	sne.s32 s18, $0x9E00;
	_ =	swait.ge [sflag:s12], $0x4000  }
.Ltmp0:
0x26: {  	[sflag:s12] =	ssyncset.done $0x0;
	(pc) =	sbr.rel @p0 .LBB2_2-.Ltmp0, $4  }
0x27: {  	s18 =	sadd.s32 $0x2800, s19;
	[sflag:s12] =	ssyncadd.s32 $0xFFFFC000  }
0x28: {  	[spmem:s2] =	stream.indirect.scatter.add.f32 [tilespmem:s15], [sflag:$0x1], $0x80, s18, s14, $0xb8;
	[tilespmem:$0x1CC00] =	vst v63  }
0x29: {  	_ =	swait.ge [sflag:s12], $0x4000  }
0x2a: {  	s18 =	smov.u32 s20;
	[sflag:s12] =	ssyncset.done $0x0  }
0x2b: {  	s17 =	sshra.s32 s17, $0x2;
	[sflag:s12] =	ssyncadd.s32 $0xFFFFC000  }
0x2c: {  	[tilespmem:s15], [sflag:$0x1] =	stream.indirect.gather [hbm4b:s4+s14], $0x80, s17, s14, $0xb8;
	[tilespmem:$0x1CC00] =	vst v63  }
0x2d: {  	_ =	swait.ge [sflag:s12], $0x4000  }
0x2e: {  	[sflag:s12] =	ssyncset.done $0x0  }
0x2f: {  	s17 =	sadd.s32 $0x2800, s17;
	[sflag:s12] =	ssyncadd.s32 $0xFFFFC000  }
0x30: {  	[spmem:s2] =	stream.indirect.scatter.add.f32 [tilespmem:s15], [sflag:$0x1], $0x80, s17, s14, $0xb8;
	[tilespmem:$0x1CC00] =	vst v63  }
0x31: {  	_ =	swait.ge [sflag:s12], $0x4000  }
0x32: {  	s16 =	sadd.s32 $0x1, s16;
	[sflag:s12] =	ssyncset.done $0x0  }
0x33: {  	p0 =	sne.s32 s16, s10;
	[sflag:s12] =	ssyncadd.s32 $0xFFFFC000  }
.Ltmp1:
0x34: {  	[bflag:$0x0] =	sbarrier.arrive $0xFFFF;
	(pc) =	sbr.rel @p0 .LBB2_1-.Ltmp1, $4  }
0x35: {  	[hbm:s9], [sflag:s6] =	dma.local [spmem:s11], $0x2780  }
0x36: {  	_ =	swait.ge [sflag:s12], $0x2780  }
0x37: {  	[sflag:s12] =	ssyncset.done $0x0  }
0x38: {  	[sflag:s12] =	ssyncadd.s32 $0xFFFFD880  }
0x39: {  	_ =	sfence.sel $0x180000  }
0x3a: {  	[bflag:$0x0] =	sbarrier.arrive $0xFFFF  }
0x3b: {  	p0 =	sne.s32 s0, $0x0;
	_ =	strace $0x90000053  }
0x3c: {  	s0 =	sadd.s32 @!p0 $0x100000, s1;
	[bflag:$0x2] =	sbarrier.arrive $0xFFFF  }
0x3d: {  	[sflag:s0] =	ssyncadd.tile.s32 @!p0 $0x1;
	_ =	shalt  }
.Lfunc_end2:
_tile_overlayer_lowered:
.L_overlay_start_2:
0x3e: {  	(tag) =	ssettag $0x2  }
0x3f: {  	s0 =	rddreg [dreg:$0x0];
	s2 =	stileid.u32  }
0x40: {  	s1 =	rddreg [dreg:$0x1];
	p0 =	sne.s32 s2, $0x0  }
0x41: {  	s3 =	rddreg [dreg:$0x2];
	[bflag:$0x3] =	sbarrier.arrive $0xFFFF;
	s2 =	simm.s32 @!p0 $0x1C01  }
0x42: {  	[timem:s3], [sflag:s2] =	dma.local @!p0 [hbm:s0], s1  }
0x43: {  	s0 =	simm.s32 @!p0 $0x1  }
0x44: {  	_ =	swait.ge @!p0 [sflag:s0], s1  }
0x45: {  	s1 =	ssub.s32 @!p0 $0x0, s1;
	[sflag:s0] =	ssyncset.done @!p0 $0x0  }
0x46: {  	[sflag:s0] =	ssyncadd.s32 @!p0 s1  }
0x47: {  	[bflag:$0x3] =	sbarrier.arrive $0xFFFF  }
0x48: {  	_ =	shalt  }

// kernel: kernel.30.cloned.1.call-start
scs
__scs_entry_jumppad:
0x0: {  	(pc) =	sbr.rel $0x88, $3  }
0x1: {  	(tag) =	ssettag $0x0;
	lr =	simm.s32 $0x1  }
0x2: {  	[smem:$0x3F86] =	sst lr;
	_ =	strace $0xD0000000  }
0x3: {  	_ = 	snop  }
0x4: {  	_ = 	snop  }
0x5: {  	_ = 	snop  }
0x6: {  	_ = 	snop  }
0x7: {  	_ = 	snop  }
__scs_overlays_trampoline_lowered:
0x8: {  	[smem:$0x3F95] =	sst s0  }
0x9: {  	[smem:$0x3F96] =	sst s1  }
0xa: {  	[smem:$0x3F97] =	sst s2  }
0xb: {  	[smem:$0x3F98] =	sst s3  }
0xc: {  	[smem:$0x3F99] =	sst s4  }
0xd: {  	[smem:$0x3F9A] =	sst s5  }
0xe: {  	[smem:$0x3F9B] =	sst s6  }
0xf: {  	[smem:$0x3F9C] =	sst s7  }
0x10: {  	[smem:$0x3F9D] =	sst s8  }
0x11: {  	[smem:$0x3F9E] =	sst s9;
	s0 =	simm.s32 @!p0 $0x0  }
0x12: {  	s1 =	sld [smem:$0x3F84];
	s0 =	simm.s32 @p0 $0x1  }
0x13: {  	[smem:$0x3F9F] =	sst s0;
	s0 =	simm.s32 @!p1 $0x0  }
0x14: {  	s2 =	sld [smem:$0x3F83];
	s0 =	simm.s32 @p1 $0x1  }
0x15: {  	[smem:$0x3FA0] =	sst s0;
	s0 =	simm.s32 @!p2 $0x0  }
0x16: {  	s3 =	sld [smem:$0x3FDB];
	s0 =	simm.s32 @p2 $0x1  }
0x17: {  	s4 =	simm.s32 $0x1BF5;
	[smem:$0x3FA2] =	sst s0  }
0x18: {  	s0 =	sld [smem:$0x3F85];
	_ =	swait.ge [sflag:s4], $0x0  }
0x19: {  	s7 =	sld [smem:$0x3F86]  }
0x1a: {  	s8 =	sadd.s32 $0xFFFFE003, lr  }
0x1b: {  	s9 =	sadd.s32 $0xFFFFFEF7, lr;
	s5 =	simm.s32 $0xFFFFFFFF;
	p2 =	slt.u32 s8, $0xFFFFF086  }
0x1c: {  	p1 =	slt.u32 s9, $0xF7A;
	s5 =	simm.s32 @!p2 $0x0  }
0x1d: {  	s5 =	simm.s32 @p1 $0x1;
	p0 =	seq.s32 s7, s2  }
0x1e: {  	s7 =	smul.u32 @!p0 $0xF7A, s2;
	p2 =	seq.s32 @!p0 s5, $0x0  }
0x1f: {  	s9 =	smul.u32 $0xF7A, s1;
	s8 =	simm.s32 @!p0 $0x1BF5;
	p2 =	por !p2, p0  }
0x20: {  	[sflag:s8] =	ssyncset.s32 @!p0 $0xFFFFF086;
	s6 =	sadd.s32 @!p0 s3, s7;
	s7 =	simm.s32 @!p0 $0x108  }
0x21: {  	s3 =	sadd.s32 s3, s9;
	s6 =	sadd.s32 @!p0 $0x88, s6;
	s7 =	simm.s32 @p2 $0x1082  }
0x22: {  	[simem:s7], [sflag:s8] =	dma.local @!p0 [hbm:s6], $0xF7A  }
0x23: {  	s9 =	sor.u32 $0xD0000000, s2;
	s6 =	simm.s32 $0x108;
	_ =	swait.ge @!p0 [sflag:s8], $0x0  }
0x24: {  	s3 =	sadd.s32 $0x88, s3;
	s6 =	simm.s32 @!p1 $0x1082;
	[sflag:s4] =	ssyncset.s32 $0xFFFFF086  }
0x25: {  	[simem:s6], [sflag:s4] =	dma.local [hbm:s3], $0xF7A  }
0x26: {  	[smem:$0x3F86] =	sst s1;
	(tag) =	ssettag s2;
	_ =	strace s9  }
0x27: {  	s1 =	sld [smem:$0x3F96]  }
0x28: {  	s2 =	sld [smem:$0x3F97]  }
0x29: {  	s4 =	sld [smem:$0x3F99]  }
0x2a: {  	p0 =	seq.s32 s5, $0x0;
	s5 =	sld [smem:$0x3F9A]  }
0x2b: {  	s6 =	sld [smem:$0x3F9B]  }
0x2c: {  	s7 =	sld [smem:$0x3F9C]  }
0x2d: {  	s3 =	simm.s32 $0x108;
	s8 =	sld [smem:$0x3F9D]  }
0x2e: {  	s3 =	simm.s32 @!p0 $0x1082;
	s9 =	sld [smem:$0x3F9E]  }
0x2f: {  	lr =	sadd.s32 s0, s3;
	s0 =	sld [smem:$0x3F95]  }
0x30: {  	s3 =	sld [smem:$0x3F98]  }
0x31: {  	[smem:$0x3FA1] =	sst s10  }
0x32: {  	s10 =	sld [smem:$0x3F9F];
	_ =	sdelay $0x3  }
0x33: {  	p0 =	seq.s32 s10, $0x1;
	s10 =	sld [smem:$0x3FA1];
	_ =	sdelay $0x3  }
0x34: {  	[smem:$0x3FA1] =	sst s10  }
0x35: {  	s10 =	sld [smem:$0x3FA0];
	_ =	sdelay $0x3  }
0x36: {  	p1 =	seq.s32 s10, $0x1;
	s10 =	sld [smem:$0x3FA1];
	_ =	sdelay $0x3  }
0x37: {  	[smem:$0x3FA1] =	sst s10  }
0x38: {  	s10 =	sld [smem:$0x3FA2]  }
0x39: {  	_ = 	snop;
	(pc) =	sbr.ind lr, $3  }
0x3a: {  	_ = 	snop  }
0x3b: {  	_ = 	snop  }
0x3c: {  	p2 =	seq.s32 s10, $0x1;
	s10 =	sld [smem:$0x3FA1]  }
0x3d: {  	_ =	shalt  }
0x3e: {  	_ =	shalt  }
0x3f: {  	_ =	shalt  }
0x40: {  	_ =	shalt  }
0x41: {  	_ =	shalt  }
0x42: {  	_ =	shalt  }
0x43: {  	_ =	shalt  }
0x44: {  	_ =	shalt  }
0x45: {  	_ =	shalt  }
0x46: {  	_ =	shalt  }
0x47: {  	_ =	shalt  }
0x48: {  	_ =	shalt  }
0x49: {  	_ =	shalt  }
0x4a: {  	_ =	shalt  }
0x4b: {  	_ =	shalt  }
0x4c: {  	_ =	shalt  }
0x4d: {  	_ =	shalt  }
0x4e: {  	_ =	shalt  }
0x4f: {  	_ =	shalt  }
0x50: {  	_ =	shalt  }
0x51: {  	_ =	shalt  }
0x52: {  	_ =	shalt  }
0x53: {  	_ =	shalt  }
0x54: {  	_ =	shalt  }
0x55: {  	_ =	shalt  }
0x56: {  	_ =	shalt  }
0x57: {  	_ =	shalt  }
0x58: {  	_ =	shalt  }
0x59: {  	_ =	shalt  }
0x5a: {  	_ =	shalt  }
0x5b: {  	_ =	shalt  }
0x5c: {  	_ =	shalt  }
0x5d: {  	_ =	shalt  }
0x5e: {  	_ =	shalt  }
0x5f: {  	_ =	shalt  }
0x60: {  	_ =	shalt  }
0x61: {  	_ =	shalt  }
0x62: {  	_ =	shalt  }
0x63: {  	_ =	shalt  }
0x64: {  	_ =	shalt  }
0x65: {  	_ =	shalt  }
0x66: {  	_ =	shalt  }
0x67: {  	_ =	shalt  }
0x68: {  	_ =	shalt  }
0x69: {  	_ =	shalt  }
0x6a: {  	_ =	shalt  }
0x6b: {  	_ =	shalt  }
0x6c: {  	_ =	shalt  }
0x6d: {  	_ =	shalt  }
0x6e: {  	_ =	shalt  }
0x6f: {  	_ =	shalt  }
0x70: {  	_ =	shalt  }
0x71: {  	_ =	shalt  }
0x72: {  	_ =	shalt  }
0x73: {  	_ =	shalt  }
0x74: {  	_ =	shalt  }
0x75: {  	_ =	shalt  }
0x76: {  	_ =	shalt  }
0x77: {  	_ =	shalt  }
0x78: {  	_ =	shalt  }
0x79: {  	_ =	shalt  }
0x7a: {  	_ =	shalt  }
0x7b: {  	_ =	shalt  }
0x7c: {  	_ =	shalt  }
0x7d: {  	_ =	shalt  }
0x7e: {  	_ =	shalt  }
0x7f: {  	_ =	shalt  }
0x80: {  	_ =	shalt  }
0x81: {  	_ =	shalt  }
0x82: {  	_ =	shalt  }
0x83: {  	_ =	shalt  }
0x84: {  	_ =	shalt  }
0x85: {  	_ =	shalt  }
0x86: {  	_ =	shalt  }
0x87: {  	_ =	shalt  }
.Lfunc_end0:
.L_simem_size_0:
called_computation.5_lowered:
.L_overlay_start_0:
0x88: {  	s2 =	sld [smem:$0x3FD9]  }
0x89: {  	s3 =	sld [smem:$0x3FFE];
	_ =	sdelay $0x1  }
0x8a: {  	s1 =	srdreg.scid  }
0x8b: {  	s0 =	sand.u32 $0x1, s1  }
0x8c: {  	s16 =	sshll.u32 s0, $0xA;
	s2 =	sadd.s32 s3, s2  }
0x8d: {  	s2 =	sadd.s32 s2, s16  }
0x8e: {  	[smem:$0x3FAD] =	sst s2  }
0x8f: {  	_ = 	snop  }
0x90: {  	(tm) =	ssettm $0x1  }
0x91: {  	s17 =	sld [smem:$0x3FFB];
	_ =	sdelay $0x3  }
0x92: {  	_ =	strace s17  }
0x93: {  	s2 =	sld [smem:$0x3FFC];
	_ =	sdelay $0x3  }
0x94: {  	_ =	strace s2  }
0x95: {  	s2 =	sld [smem:$0x3FFD];
	_ =	sdelay $0x3  }
0x96: {  	_ =	strace s2  }
0x97: {  	_ =	strace $0x8FFFFFFF  }
0x98: {  	s18 =	sld [smem:$0x3FDB];
	_ =	sdelay $0x1  }
0x99: {  	s19 =	simm.s32 $_scs_section_size  }
0x9a: {  	s4 =	simm.s32 $_size__tile_overlayer_lowered;
	s5 =	simm.s32 $_tile_overlayer_lowered  }
0x9b: {  	s22 =	simm.s32 $0x1BFF;
	s21 =	sshll.u32 s5, $0x1;
	s2 =	sadd.s32 s19, s18  }
0x9c: {  	s6 =	simm.s32 $0x0;
	s20 =	sshll.u32 s4, $0x1;
	s4 =	sadd.s32 s21, s2  }
0x9d: {  	[timem:s6], [sflag:s22] =	dma.local [hbm:s4], s20  }
0x9e: {  	_ =	swait.ge [sflag:s22], s20  }
0x9f: {  	s3 =	ssub.s32 $0x0, s20;
	[sflag:s22] =	ssyncset.done $0x0  }
0xa0: {  	[sflag:s22] =	ssyncadd.s32 s3;
	_ =	sdelay $0x1  }
0xa1: {  	s23 =	simm.s32 $0x1B8B  }
0xa2: {  	_ =	swait.ge [sflag:s23], $0x1  }
0xa3: {  	[sflag:s23] =	ssyncset.done $0x0  }
0xa4: {  	s25 =	simm.s32 $0x1B8E;
	s24 =	sld [smem:$0x3FFE];
	[sflag:s23] =	ssyncadd.s32 $0xFFFFFFFF  }
0xa5: {  	s26 =	simm.s32 $execute0_lowered;
	[smem:$0x3FD2] =	sst s25  }
0xa6: {  	s4 =	sshll.u32 s26, $0x1;
	_ =	strace $0x80000055;
	[dreg:$0x1] =	wrdreg $0xFFFFFFFF  }
0xa7: {  	s28 =	simm.s32 $_size_execute0_lowered;
	s2 =	sadd.s32 s2, s4;
	[dreg:$0x0] =	wrdreg $0x0  }
0xa8: {  	s4 =	sshll.u32 s28, $0x1;
	[dreg:$0x2] =	wrdreg s2  }
0xa9: {  	[dreg:$0x3] =	wrdreg s4  }
0xaa: {  	[dreg:$0x4] =	wrdreg $0xC0  }
0xab: {  	_ =	task [dreg:s6], $0x5FFFF  }
0xac: {  	[dreg:$0x1] =	wrdreg $0xFFFFFFFF  }
0xad: {  	[dreg:$0x0] =	wrdreg $0x60  }
0xae: {  	[dreg:$0x2] =	wrdreg s24  }
0xaf: {  	[dreg:$0x3] =	wrdreg $0x90000  }
0xb0: {  	[dreg:$0x4] =	wrdreg $0x9  }
0xb1: {  	_ =	task.clear_ibuf [dreg:s6], $0x5FFFF;
	_ =	strace $0x90000055  }
0xb2: {  	s29 =	simm.s32 $0x9;
	_ =	strace $0x80000057  }
0xb3: {  	_ =	swait.ge [sflag:s29], $0x1  }
0xb4: {  	[sflag:s29] =	ssyncadd.s32 $0xFFFFFFFF  }
0xb5: {  	_ =	strace $0x90000057  }
0xb6: {  	_ =	sfence  }
0xb7: {  	s30 =	sld [smem:$0x0];
	_ =	sdelay $0x2  }
0xb8: {  	s31 =	sshll.u32 s1, $0xD;
	s1 =	sshrl.u32 s1, $0x2  }
0xb9: {  	s3 =	sand.u32 $0x4000, s31;
	s1 =	sadd.s32 s1, s30  }
0xba: {  	s0 =	sor.u32 s3, s0;
	s1 =	sshll.u32 s1, $0x11  }
0xbb: {  	s0 =	sor.u32 s1, s0  }
0xbc: {  	s0 =	sadd.s32 $0x8F2B, s0  }
0xbd: {  	[sflag:s0] =	ssyncadd.remote.s32 $0x1  }
0xbe: {  	_ =	sfence.sel $0xFFFF  }
0xbf: {  	[dreg:$0x0] =	wrdreg $0xFFFFFFFF;
	(pc) =	sbr.abs _section_cstart, $3  }
0xc0: {  	[dreg:$0x1] =	wrdreg $0xFFFFFFFF  }
0xc1: {  	_ =	task.clear_ibuf [dreg:s6], $0x2FFFF;
	_ =	strace $0x9FFFFFFF  }
0xc2: {  	(tm) =	ssettm $0x7FFFFFFF  }
0xc3: {  	_ =	shalt  }
tec
execute0_lowered:
.L_overlay_start_1:
0x0: {  	(tag) =	ssettag $0x1  }
0x1: {  	s0 =	srdreg.scid;
	s6 =	rddreg [dreg:$0x0]  }
0x2: {  	s2 =	rddreg [dreg:$0x1];
	s3 =	simm.s32 $0x0;
	s14 =	simm.s32 $0x80  }
0x3: {  	s15 =	simm.s32 $0x5000;
	s5 =	sand.u32 $0x1, s0;
	s0 =	stileid.u32  }
0x4: {  	s16 =	simm.s32 $0x0;
	[smem:$0x7FF] =	sst s3;
	s8 =	smul.u32 $0x13C000, s5  }
0x5: {  	s4 =	sadd.s32 $0x1B200, s6;
	s1 =	sshll.u32 s5, $0x4;
	s9 =	smul.u32 $0x13C00, s0  }
0x6: {  	s26 =	ssub.s32 $0x2, s5;
	s28 =	smul.u32 $0x4F000, s0;
	s5 =	sadd.s32 $0x69600, s6  }
0x7: {  	s31 =	sshll.u32 s0, $0x6;
	s1 =	sor.u32 s0, s1;
	s29 =	sshrl.u32 s26, $0x1  }
0x8: {  	s7 =	smul.u32 $0x500, s1;
	s1 =	rddreg [dreg:$0x2];
	_ =	strace $0x80000056  }
0x9: {  	s25 =	sadd.s32 s9, s8;
	s12 =	ssub.s32 s26, s29;
	s30 =	sshrl.u32 s28, $0x2  }
0xa: {  	s13 =	sadd.s32 s30, s2;
	s10 =	sadd.s32 s7, s6;
	s7 =	sshrl.u32 s25, $0x3  }
0xb: {  	s11 =	sadd.s32 s7, s6;
	s6 =	sor.u32 $0x1C01, s31;
	s7 =	sadd.s32 $0x7200, s10  }
0xc: {  	s8 =	sadd.s32 $0x11200, s10;
	s10 =	smax.u32 s12, $0x1;
	s12 =	simm.s32 $0x1  }
0xd: {  	s9 =	sadd.s32 $0x6BE00, s11;
	s11 =	sshrl.u32 s13, $0x3;
	s13 =	simm.s32 $0x2800  }
.LBB2_1:
0xe: {  	[spmem:s11], [sflag:s6] =	dma.local [hbm:s5], $0x2780  }
0xf: {  	_ =	swait.ge [sflag:s12], $0x2780  }
0x10: {  	[sflag:s12] =	ssyncset.done $0x0  }
0x11: {  	[sflag:s12] =	ssyncadd.s32 $0xFFFFD880  }
0x12: {  	[tilespmem:s3], [sflag:$0x1] =	stream.linear.gather [hbm4b:s7+s3], $0x2800, $0x38;
	[tilespmem:$0x1CC00] =	vst v63  }
0x13: {  	_ =	swait.ge [sflag:s12], $0x2800  }
0x14: {  	[sflag:s12] =	ssyncset.done $0x0  }
0x15: {  	[sflag:s12] =	ssyncadd.s32 $0xFFFFD800  }
0x16: {  	[tilespmem:s13], [sflag:$0x1] =	stream.linear.gather [hbm4b:s8+s3], $0x2800, $0x38;
	[tilespmem:$0x1CC00] =	vst v63  }
0x17: {  	_ =	swait.ge [sflag:s12], $0x2800  }
0x18: {  	[sflag:s12] =	ssyncset.done $0x0  }
0x19: {  	[sflag:s12] =	ssyncadd.s32 $0xFFFFD800  }
0x1a: {  	s17 =	simm.s32 $0x0;
	[bflag:$0x0] =	sbarrier.arrive $0xFFFF  }
0x1b: {  	[tilespmem:s15], [sflag:$0x1] =	stream.indirect.gather [hbm4b:s4+s14], $0x80, s17, s14, $0xb8;
	[tilespmem:$0x1CC00] =	vst v63  }
0x1c: {  	_ =	swait.ge [sflag:s12], $0x4000  }
0x1d: {  	[sflag:s12] =	ssyncset.done $0x0  }
0x1e: {  	s31 =	simm.s32 $0x2800;
	[sflag:s12] =	ssyncadd.s32 $0xFFFFC000  }
0x1f: {  	[spmem:s2] =	stream.indirect.scatter.add.f32 [tilespmem:s15], [sflag:$0x1], $0x80, s31, s14, $0xb8;
	[tilespmem:$0x1CC00] =	vst v63  }
0x20: {  	_ =	swait.ge [sflag:s12], $0x4000  }
0x21: {  	s18 =	simm.s32 $0x400;
	s17 =	simm.s32 $0x200;
	[sflag:s12] =	ssyncset.done $0x0  }
.LBB2_2:
0x22: {  	s19 =	sshra.s32 s17, $0x2  }
0x23: {  	[sflag:s12] =	ssyncadd.s32 $0xFFFFC000;
	s17 =	smov.u32 s18;
	s20 =	sadd.s32 $0x200, s18  }
0x24: {  	[tilespmem:s15], [sflag:$0x1] =	stream.indirect.gather [hbm4b:s4+s14], $0x80, s19, s14, $0xb8;
	[tilespmem:$0x1CC00] =	vst v63  }
0x25: {  	p0 =	sne.s32 s18, $0x9E00;
	_ =	swait.ge [sflag:s12], $0x4000  }
.Ltmp0:
0x26: {  	[sflag:s12] =	ssyncset.done $0x0;
	(pc) =	sbr.rel @p0 .LBB2_2-.Ltmp0, $4  }
0x27: {  	s18 =	sadd.s32 $0x2800, s19;
	[sflag:s12] =	ssyncadd.s32 $0xFFFFC000  }
0x28: {  	[spmem:s2] =	stream.indirect.scatter.add.f32 [tilespmem:s15], [sflag:$0x1], $0x80, s18, s14, $0xb8;
	[tilespmem:$0x1CC00] =	vst v63  }
0x29: {  	_ =	swait.ge [sflag:s12], $0x4000  }
0x2a: {  	s18 =	smov.u32 s20;
	[sflag:s12] =	ssyncset.done $0x0  }
0x2b: {  	s17 =	sshra.s32 s17, $0x2;
	[sflag:s12] =	ssyncadd.s32 $0xFFFFC000  }
0x2c: {  	[tilespmem:s15], [sflag:$0x1] =	stream.indirect.gather [hbm4b:s4+s14], $0x80, s17, s14, $0xb8;
	[tilespmem:$0x1CC00] =	vst v63  }
0x2d: {  	_ =	swait.ge [sflag:s12], $0x4000  }
0x2e: {  	[sflag:s12] =	ssyncset.done $0x0  }
0x2f: {  	s17 =	sadd.s32 $0x2800, s17;
	[sflag:s12] =	ssyncadd.s32 $0xFFFFC000  }
0x30: {  	[spmem:s2] =	stream.indirect.scatter.add.f32 [tilespmem:s15], [sflag:$0x1], $0x80, s17, s14, $0xb8;
	[tilespmem:$0x1CC00] =	vst v63  }
0x31: {  	_ =	swait.ge [sflag:s12], $0x4000  }
0x32: {  	s16 =	sadd.s32 $0x1, s16;
	[sflag:s12] =	ssyncset.done $0x0  }
0x33: {  	p0 =	sne.s32 s16, s10;
	[sflag:s12] =	ssyncadd.s32 $0xFFFFC000  }
.Ltmp1:
0x34: {  	[bflag:$0x0] =	sbarrier.arrive $0xFFFF;
	(pc) =	sbr.rel @p0 .LBB2_1-.Ltmp1, $4  }
0x35: {  	[hbm:s9], [sflag:s6] =	dma.local [spmem:s11], $0x2780  }
0x36: {  	_ =	swait.ge [sflag:s12], $0x2780  }
0x37: {  	[sflag:s12] =	ssyncset.done $0x0  }
0x38: {  	[sflag:s12] =	ssyncadd.s32 $0xFFFFD880  }
0x39: {  	_ =	sfence.sel $0x180000  }
0x3a: {  	[bflag:$0x0] =	sbarrier.arrive $0xFFFF  }
0x3b: {  	p0 =	sne.s32 s0, $0x0;
	_ =	strace $0x90000056  }
0x3c: {  	s0 =	sadd.s32 @!p0 $0x100000, s1;
	[bflag:$0x2] =	sbarrier.arrive $0xFFFF  }
0x3d: {  	[sflag:s0] =	ssyncadd.tile.s32 @!p0 $0x1;
	_ =	shalt  }
.Lfunc_end2:
_tile_overlayer_lowered:
.L_overlay_start_2:
0x3e: {  	(tag) =	ssettag $0x2  }
0x3f: {  	s0 =	rddreg [dreg:$0x0];
	s2 =	stileid.u32  }
0x40: {  	s1 =	rddreg [dreg:$0x1];
	p0 =	sne.s32 s2, $0x0  }
0x41: {  	s3 =	rddreg [dreg:$0x2];
	[bflag:$0x3] =	sbarrier.arrive $0xFFFF;
	s2 =	simm.s32 @!p0 $0x1C01  }
0x42: {  	[timem:s3], [sflag:s2] =	dma.local @!p0 [hbm:s0], s1  }
0x43: {  	s0 =	simm.s32 @!p0 $0x1  }
0x44: {  	_ =	swait.ge @!p0 [sflag:s0], s1  }
0x45: {  	s1 =	ssub.s32 @!p0 $0x0, s1;
	[sflag:s0] =	ssyncset.done @!p0 $0x0  }
0x46: {  	[sflag:s0] =	ssyncadd.s32 @!p0 s1  }
0x47: {  	[bflag:$0x3] =	sbarrier.arrive $0xFFFF  }
0x48: {  	_ =	shalt  }

</sc_bundles>
